<compile_context>
chip_gen: v7x
topology: tpu7x:2x2x1
jax: 0.10.2.dev20260603
libtpu: 0.0.44.dev20260713+nightly
codegen_flags: <defaults>
</compile_context>

<pallas_src>
import jax
import jax.numpy as jnp
from jax import lax
from jax.experimental import pallas as pl
from jax.experimental.pallas import tpu as pltpu
from jax.experimental.pallas import tpu_sc as plsc

_D = 768
_E = 64
_H = 512
_CAP = 64
_N = 2048
_SENTINEL = _E * _CAP
_SLOTS = _E * _CAP + _CAP
_NW = 32
_TPW = _N // _NW


def _routing_kernel(xf_ref, wr_ref, slot_ref, scale_ref):
    xf = xf_ref[...]
    wr = wr_ref[...]
    logits = jnp.dot(xf, wr, preferred_element_type=jnp.float32)
    m = jnp.max(logits, axis=1, keepdims=True)
    w0 = 1.0 / jnp.sum(jnp.exp(logits - m), axis=1, keepdims=True)
    lane = jax.lax.broadcasted_iota(jnp.int32, (_N, _E), 1)
    cand = jnp.where(logits >= m, lane, _E)
    idx0 = jnp.min(cand, axis=1, keepdims=True)
    onehot = (lane == idx0).astype(jnp.float32)
    r = jax.lax.broadcasted_iota(jnp.int32, (_N, _N), 0)
    c = jax.lax.broadcasted_iota(jnp.int32, (_N, _N), 1)
    tri = (r >= c).astype(jnp.float32)
    pos = jnp.dot(tri, onehot, preferred_element_type=jnp.float32)
    pos_in = jnp.sum(pos * onehot, axis=1, keepdims=True) - 1.0
    keep = pos_in < _CAP
    pos_c = jnp.clip(pos_in.astype(jnp.int32), 0, _CAP - 1)
    slot = idx0 * _CAP + pos_c
    slot_ref[...] = jnp.where(keep, slot, _SENTINEL)
    scale_ref[...] = jnp.broadcast_to(jnp.where(keep, w0, 0.0), (_N, 128))


def _disp_body(xf_hbm, slot_hbm, scale_hbm, disp_hbm, ssc_hbm,
               idx_v, rows_v, scl_v, sem1, sem2):
    wid = lax.axis_index("s") * 2 + lax.axis_index("c")
    base = wid * _TPW
    pltpu.sync_copy(slot_hbm.at[pl.ds(base, _TPW)], idx_v)
    pltpu.sync_copy(xf_hbm.at[pl.ds(base, _TPW)], rows_v)
    cp1 = pltpu.async_copy(rows_v, disp_hbm.at[idx_v], sem1)
    pltpu.sync_copy(scale_hbm.at[pl.ds(base, _TPW)], scl_v)
    cp2 = pltpu.async_copy(scl_v, ssc_hbm.at[idx_v], sem2)
    cp1.wait()
    cp2.wait()


def _ffn_kernel(disp_ref, ssc_ref, wi_ref, wo_ref, eo_ref):
    e = pl.program_id(0)

    @pl.when(e < _E)
    def _():
        h = jnp.dot(disp_ref[...], wi_ref[0], preferred_element_type=jnp.float32)
        h = h * (1.0 / (1.0 + jnp.exp(-h)))
        eo = jnp.dot(h, wo_ref[0], preferred_element_type=jnp.float32)
        eo_ref[...] = eo * ssc_ref[:, 0:1]

    @pl.when(e == _E)
    def _():
        eo_ref[...] = jnp.zeros((_CAP, _D), jnp.float32)


def _comb_body(eo_hbm, slot_hbm, out_hbm, idx_v, rows_v, sem):
    wid = lax.axis_index("s") * 2 + lax.axis_index("c")
    base = wid * _TPW
    pltpu.sync_copy(slot_hbm.at[pl.ds(base, _TPW)], idx_v)
    pltpu.async_copy(eo_hbm.at[idx_v], rows_v, sem).wait()
    pltpu.sync_copy(rows_v, out_hbm.at[pl.ds(base, _TPW)])


_sc_mesh = plsc.VectorSubcoreMesh(core_axis_name="c", subcore_axis_name="s")

_disp_call = pl.kernel(
    _disp_body,
    out_type=(
        jax.ShapeDtypeStruct((_SLOTS, _D), jnp.float32),
        jax.ShapeDtypeStruct((_SLOTS, 128), jnp.float32),
    ),
    mesh=_sc_mesh,
    scratch_types=[
        pltpu.VMEM((_TPW,), jnp.int32),
        pltpu.VMEM((_TPW, _D), jnp.float32),
        pltpu.VMEM((_TPW, 128), jnp.float32),
        pltpu.SemaphoreType.DMA,
        pltpu.SemaphoreType.DMA,
    ],
)

_comb_call = pl.kernel(
    _comb_body,
    out_type=jax.ShapeDtypeStruct((_N, _D), jnp.float32),
    mesh=_sc_mesh,
    scratch_types=[
        pltpu.VMEM((_TPW,), jnp.int32),
        pltpu.VMEM((_TPW, _D), jnp.float32),
        pltpu.SemaphoreType.DMA,
    ],
)


def kernel(x, W_router, W_in, W_out):
    xf = x.reshape(_N, _D)
    slot, scale = pl.pallas_call(
        _routing_kernel,
        out_shape=(
            jax.ShapeDtypeStruct((_N, 1), jnp.int32),
            jax.ShapeDtypeStruct((_N, 128), jnp.float32),
        ),
    )(xf, W_router)
    slot1 = slot.reshape(_N)

    disp, ssc = _disp_call(xf, slot1, scale)

    clamp = lambda e: (jnp.minimum(e, _E - 1), 0)
    eo = pl.pallas_call(
        _ffn_kernel,
        grid=(_E + 1,),
        in_specs=[
            pl.BlockSpec((_CAP, _D), clamp),
            pl.BlockSpec((_CAP, 128), clamp),
            pl.BlockSpec((1, _D, _H), lambda e: (jnp.minimum(e, _E - 1), 0, 0)),
            pl.BlockSpec((1, _H, _D), lambda e: (jnp.minimum(e, _E - 1), 0, 0)),
        ],
        out_specs=pl.BlockSpec((_CAP, _D), lambda e: (e, 0)),
        out_shape=jax.ShapeDtypeStruct((_SLOTS, _D), jnp.float32),
    )(disp, ssc, W_in, W_out)

    out = _comb_call(eo, slot1)
    return out.reshape(x.shape)

# --- scband reference (transcript-rebuilt; emitter-appended) ---
"""Pipeline reference for scband-mo-ebase-22909355557543 (READ-ONLY COPY).

The authoritative reference and input builder live on the scoring server;
editing this copy changes nothing except your own understanding.
"""

import jax, jax.numpy as jnp
import numpy as np

D_MODEL = 768
E = 64
HIDDEN = 512
TOP_K = 1
CAPACITY = 64  # 2 * (B*S) * TOP_K / E
B = 1
S = 2048


def setup_inputs(seed: int = 0) -> dict:
    key = jax.random.key(seed)
    k1, k2, k3, k4 = jax.random.split(key, 4)
    x = jax.random.normal(k1, (B, S, D_MODEL), dtype=jnp.float32)
    W_router = jax.random.normal(k2, (D_MODEL, E), dtype=jnp.float32) * 0.02
    W_in = jax.random.normal(k3, (E, D_MODEL, HIDDEN), dtype=jnp.float32) * 0.02
    W_out = jax.random.normal(k4, (E, HIDDEN, D_MODEL), dtype=jnp.float32) * 0.02
    return {"x": x, "W_router": W_router, "W_in": W_in, "W_out": W_out}


def _moe(x, W_router, W_in, W_out):
    # Router: softmax over experts, top-k selection (top_k = 1)
    xf = x.reshape(-1, D_MODEL)
    logits = xf @ W_router                     # [N, E]
    probs = jax.nn.softmax(logits, axis=-1)
    weights, idx = jax.lax.top_k(probs, TOP_K) # [N, 1], [N, 1]
    idx0 = idx[:, 0]
    w0 = weights[:, 0]
    # Capacity-based dispatch (tokens beyond expert capacity are dropped)
    onehot = jax.nn.one_hot(idx0, E, dtype=xf.dtype)          # [N, E]
    pos = jnp.cumsum(onehot, axis=0) * onehot                  # position+1 at assigned expert
    pos_in_expert = (jnp.sum(pos, axis=-1) - 1.0).astype(jnp.int32)  # [N]
    keep = (pos_in_expert < CAPACITY).astype(xf.dtype)         # [N]
    pos_c = jnp.clip(pos_in_expert, 0, CAPACITY - 1)
    # Scatter tokens into expert buffers: [E, C, d]
    disp = jnp.zeros((E, CAPACITY, D_MODEL), dtype=xf.dtype).at[idx0, pos_c].add(xf * keep[:, None])
    # Expert MLPs (grouped matmul)
    h = jax.nn.silu(jnp.einsum('ecd,edh->ech', disp, W_in))
    eo = jnp.einsum('ech,ehd->ecd', h, W_out)                  # [E, C, d]
    # Gather back per-token outputs, weight by router prob
    tok = eo[idx0, pos_c] * keep[:, None] * w0[:, None]
    # MoEBase combine: sum(experts_out * top_k) / sum(top_k) == experts_out for single router
    return tok.reshape(x.shape)


def reference(x, W_router, W_in, W_out):
    return _moe(x, W_router, W_in, W_out)

if __name__ == "__main__":
    import jax
    _d = setup_inputs()
    print(jax.jit(kernel)(*tuple(_d.values())))

</pallas_src>

<mosaic_0001>
#map = affine_map<(d0, d1) -> (0, 0)>
#map1 = affine_map<(d0, d1) -> (0)>
module attributes {stable_mosaic.version = 14 : i64} {
  func.func @_disp_body(%arg0: i32, %arg1: i32, %arg2: memref<2048x768xf32, #tpu.memory_space<hbm>>, %arg3: memref<2048xi32, #tpu.memory_space<hbm>>, %arg4: memref<2048x128xf32, #tpu.memory_space<hbm>>, %arg5: memref<4160x768xf32, #tpu.memory_space<hbm>>, %arg6: memref<4160x128xf32, #tpu.memory_space<hbm>>, %arg7: memref<64xi32, #tpu.memory_space<vmem>>, %arg8: memref<64x768xf32, #tpu.memory_space<vmem>>, %arg9: memref<64x128xf32, #tpu.memory_space<vmem>>, %arg10: memref<!tpu.dma_semaphore, #tpu.memory_space<semaphore_mem>>, %arg11: memref<!tpu.dma_semaphore, #tpu.memory_space<semaphore_mem>>) attributes {dimension_semantics = [#tpu.dimension_semantics<core_parallel>, #tpu.dimension_semantics<subcore_parallel>], iteration_bounds = array<i64: 2, 16>, scalar_prefetch = 0 : i64, scratch_operands = 5 : i64, tpu.core_type = #tpu.core_type<sc_vector_subcore>, window_params = [{transform_indices = #map}, {transform_indices = #map1}, {transform_indices = #map}, {transform_indices = #map}, {transform_indices = #map}]} {
    %mul3A = arith.constant 2 : i32
    %mul3A_0 = arith.muli %arg1, %mul3A : i32
    %add3A = arith.addi %mul3A_0, %arg0 : i32
    %mul3A_1 = arith.constant 64 : i32
    %mul3A_2 = arith.muli %add3A, %mul3A_1 : i32
    "tpu.region"() ({
      %run_scoped3A = tpu.sem_alloc : memref<!tpu.dma_semaphore, #tpu.memory_space<semaphore_mem>>
      %dma_start3A_13 = tpu.memref_slice %arg3[%mul3A_2] : memref<2048xi32, #tpu.memory_space<hbm>> -> memref<64xi32, #tpu.memory_space<hbm>>
      %dma_start3A_14 = tpu.memref_slice %arg3[%mul3A_2] : memref<2048xi32, #tpu.memory_space<hbm>> -> memref<64xi32, #tpu.memory_space<hbm>>
      tpu.enqueue_dma source(%dma_start3A_14 : memref<64xi32, #tpu.memory_space<hbm>>) target(%arg7 : memref<64xi32, #tpu.memory_space<vmem>>) target_semaphore(%run_scoped3A : memref<!tpu.dma_semaphore, #tpu.memory_space<semaphore_mem>>)
      %dma_wait3A_15 = tpu.memref_slice %arg3[%mul3A_2] : memref<2048xi32, #tpu.memory_space<hbm>> -> memref<64xi32, #tpu.memory_space<hbm>>
      %dma_wait3A_16 = tpu.memref_slice %arg3[%mul3A_2] : memref<2048xi32, #tpu.memory_space<hbm>> -> memref<64xi32, #tpu.memory_space<hbm>>
      tpu.wait_dma2 semaphore(%run_scoped3A : memref<!tpu.dma_semaphore, #tpu.memory_space<semaphore_mem>>) src(%dma_wait3A_16 : memref<64xi32, #tpu.memory_space<hbm>>) dst(%arg7 : memref<64xi32, #tpu.memory_space<vmem>>)
      tpu.yield
    }) : () -> ()
    "tpu.region"() ({
      %run_scoped3A = tpu.sem_alloc : memref<!tpu.dma_semaphore, #tpu.memory_space<semaphore_mem>>
      %dma_start3A_13 = arith.constant 0 : i32
      %dma_start3A_14 = tpu.memref_slice %arg2[%mul3A_2, %dma_start3A_13] : memref<2048x768xf32, #tpu.memory_space<hbm>> -> memref<64x768xf32, #tpu.memory_space<hbm>>
      %dma_start3A_15 = arith.constant 0 : i32
      %dma_start3A_16 = tpu.memref_slice %arg2[%mul3A_2, %dma_start3A_15] : memref<2048x768xf32, #tpu.memory_space<hbm>> -> memref<64x768xf32, #tpu.memory_space<hbm>>
      tpu.enqueue_dma source(%dma_start3A_16 : memref<64x768xf32, #tpu.memory_space<hbm>>) target(%arg8 : memref<64x768xf32, #tpu.memory_space<vmem>>) target_semaphore(%run_scoped3A : memref<!tpu.dma_semaphore, #tpu.memory_space<semaphore_mem>>)
      %dma_wait3A_17 = arith.constant 0 : i32
      %dma_wait3A_18 = tpu.memref_slice %arg2[%mul3A_2, %dma_wait3A_17] : memref<2048x768xf32, #tpu.memory_space<hbm>> -> memref<64x768xf32, #tpu.memory_space<hbm>>
      %dma_wait3A_19 = arith.constant 0 : i32
      %dma_wait3A_20 = tpu.memref_slice %arg2[%mul3A_2, %dma_wait3A_19] : memref<2048x768xf32, #tpu.memory_space<hbm>> -> memref<64x768xf32, #tpu.memory_space<hbm>>
      tpu.wait_dma2 semaphore(%run_scoped3A : memref<!tpu.dma_semaphore, #tpu.memory_space<semaphore_mem>>) src(%dma_wait3A_20 : memref<64x768xf32, #tpu.memory_space<hbm>>) dst(%arg8 : memref<64x768xf32, #tpu.memory_space<vmem>>)
      tpu.yield
    }) : () -> ()
    %dma_start3A = arith.constant 0 : i32
    %dma_start3A_3 = arith.constant 0 : i32
    %dma_start3A_4 = tpu.memref_slice %arg5[%dma_start3A, %dma_start3A_3] : memref<4160x768xf32, #tpu.memory_space<hbm>> -> memref<4160x768xf32, #tpu.memory_space<hbm>>
    tpu.enqueue_indirect_dma source(%arg8 : memref<64x768xf32, #tpu.memory_space<vmem>>) target(%dma_start3A_4 : memref<4160x768xf32, #tpu.memory_space<hbm>>) offsets(%arg7 : memref<64xi32, #tpu.memory_space<vmem>>) semaphore(%arg10 : memref<!tpu.dma_semaphore, #tpu.memory_space<semaphore_mem>>)
    "tpu.region"() ({
      %run_scoped3A = tpu.sem_alloc : memref<!tpu.dma_semaphore, #tpu.memory_space<semaphore_mem>>
      %dma_start3A_13 = arith.constant 0 : i32
      %dma_start3A_14 = tpu.memref_slice %arg4[%mul3A_2, %dma_start3A_13] : memref<2048x128xf32, #tpu.memory_space<hbm>> -> memref<64x128xf32, #tpu.memory_space<hbm>>
      %dma_start3A_15 = arith.constant 0 : i32
      %dma_start3A_16 = tpu.memref_slice %arg4[%mul3A_2, %dma_start3A_15] : memref<2048x128xf32, #tpu.memory_space<hbm>> -> memref<64x128xf32, #tpu.memory_space<hbm>>
      tpu.enqueue_dma source(%dma_start3A_16 : memref<64x128xf32, #tpu.memory_space<hbm>>) target(%arg9 : memref<64x128xf32, #tpu.memory_space<vmem>>) target_semaphore(%run_scoped3A : memref<!tpu.dma_semaphore, #tpu.memory_space<semaphore_mem>>)
      %dma_wait3A_17 = arith.constant 0 : i32
      %dma_wait3A_18 = tpu.memref_slice %arg4[%mul3A_2, %dma_wait3A_17] : memref<2048x128xf32, #tpu.memory_space<hbm>> -> memref<64x128xf32, #tpu.memory_space<hbm>>
      %dma_wait3A_19 = arith.constant 0 : i32
      %dma_wait3A_20 = tpu.memref_slice %arg4[%mul3A_2, %dma_wait3A_19] : memref<2048x128xf32, #tpu.memory_space<hbm>> -> memref<64x128xf32, #tpu.memory_space<hbm>>
      tpu.wait_dma2 semaphore(%run_scoped3A : memref<!tpu.dma_semaphore, #tpu.memory_space<semaphore_mem>>) src(%dma_wait3A_20 : memref<64x128xf32, #tpu.memory_space<hbm>>) dst(%arg9 : memref<64x128xf32, #tpu.memory_space<vmem>>)
      tpu.yield
    }) : () -> ()
    %dma_start3A_5 = arith.constant 0 : i32
    %dma_start3A_6 = arith.constant 0 : i32
    %dma_start3A_7 = tpu.memref_slice %arg6[%dma_start3A_5, %dma_start3A_6] : memref<4160x128xf32, #tpu.memory_space<hbm>> -> memref<4160x128xf32, #tpu.memory_space<hbm>>
    tpu.enqueue_indirect_dma source(%arg9 : memref<64x128xf32, #tpu.memory_space<vmem>>) target(%dma_start3A_7 : memref<4160x128xf32, #tpu.memory_space<hbm>>) offsets(%arg7 : memref<64xi32, #tpu.memory_space<vmem>>) semaphore(%arg11 : memref<!tpu.dma_semaphore, #tpu.memory_space<semaphore_mem>>)
    %dma_wait3A = arith.constant 0 : i32
    %dma_wait3A_8 = arith.constant 0 : i32
    %dma_wait3A_9 = tpu.memref_slice %arg5[%dma_wait3A, %dma_wait3A_8] : memref<4160x768xf32, #tpu.memory_space<hbm>> -> memref<4160x768xf32, #tpu.memory_space<hbm>>
    tpu.wait_indirect_dma semaphore(%arg10 : memref<!tpu.dma_semaphore, #tpu.memory_space<semaphore_mem>>) src(%arg8 : memref<64x768xf32, #tpu.memory_space<vmem>>) dst(%dma_wait3A_9 : memref<4160x768xf32, #tpu.memory_space<hbm>>)
    %dma_wait3A_10 = arith.constant 0 : i32
    %dma_wait3A_11 = arith.constant 0 : i32
    %dma_wait3A_12 = tpu.memref_slice %arg6[%dma_wait3A_10, %dma_wait3A_11] : memref<4160x128xf32, #tpu.memory_space<hbm>> -> memref<4160x128xf32, #tpu.memory_space<hbm>>
    tpu.wait_indirect_dma semaphore(%arg11 : memref<!tpu.dma_semaphore, #tpu.memory_space<semaphore_mem>>) src(%arg9 : memref<64x128xf32, #tpu.memory_space<vmem>>) dst(%dma_wait3A_12 : memref<4160x128xf32, #tpu.memory_space<hbm>>)
    return
  }
}

#map = affine_map<(d0, d1) -> (0, 0)>
#map1 = affine_map<(d0, d1) -> (0)>
module attributes {stable_mosaic.version = 14 : i64} {
  func.func @_comb_body(%arg0: i32, %arg1: i32, %arg2: memref<4160x768xf32, #tpu.memory_space<hbm>>, %arg3: memref<2048xi32, #tpu.memory_space<hbm>>, %arg4: memref<2048x768xf32, #tpu.memory_space<hbm>>, %arg5: memref<64xi32, #tpu.memory_space<vmem>>, %arg6: memref<64x768xf32, #tpu.memory_space<vmem>>, %arg7: memref<!tpu.dma_semaphore, #tpu.memory_space<semaphore_mem>>) attributes {dimension_semantics = [#tpu.dimension_semantics<core_parallel>, #tpu.dimension_semantics<subcore_parallel>], iteration_bounds = array<i64: 2, 16>, scalar_prefetch = 0 : i64, scratch_operands = 3 : i64, tpu.core_type = #tpu.core_type<sc_vector_subcore>, window_params = [{transform_indices = #map}, {transform_indices = #map1}, {transform_indices = #map}]} {
    %mul3A = arith.constant 2 : i32
    %mul3A_0 = arith.muli %arg1, %mul3A : i32
    %add3A = arith.addi %mul3A_0, %arg0 : i32
    %mul3A_1 = arith.constant 64 : i32
    %mul3A_2 = arith.muli %add3A, %mul3A_1 : i32
    "tpu.region"() ({
      %run_scoped3A = tpu.sem_alloc : memref<!tpu.dma_semaphore, #tpu.memory_space<semaphore_mem>>
      %dma_start3A_7 = tpu.memref_slice %arg3[%mul3A_2] : memref<2048xi32, #tpu.memory_space<hbm>> -> memref<64xi32, #tpu.memory_space<hbm>>
      %dma_start3A_8 = tpu.memref_slice %arg3[%mul3A_2] : memref<2048xi32, #tpu.memory_space<hbm>> -> memref<64xi32, #tpu.memory_space<hbm>>
      tpu.enqueue_dma source(%dma_start3A_8 : memref<64xi32, #tpu.memory_space<hbm>>) target(%arg5 : memref<64xi32, #tpu.memory_space<vmem>>) target_semaphore(%run_scoped3A : memref<!tpu.dma_semaphore, #tpu.memory_space<semaphore_mem>>)
      %dma_wait3A_9 = tpu.memref_slice %arg3[%mul3A_2] : memref<2048xi32, #tpu.memory_space<hbm>> -> memref<64xi32, #tpu.memory_space<hbm>>
      %dma_wait3A_10 = tpu.memref_slice %arg3[%mul3A_2] : memref<2048xi32, #tpu.memory_space<hbm>> -> memref<64xi32, #tpu.memory_space<hbm>>
      tpu.wait_dma2 semaphore(%run_scoped3A : memref<!tpu.dma_semaphore, #tpu.memory_space<semaphore_mem>>) src(%dma_wait3A_10 : memref<64xi32, #tpu.memory_space<hbm>>) dst(%arg5 : memref<64xi32, #tpu.memory_space<vmem>>)
      tpu.yield
    }) : () -> ()
    %dma_start3A = arith.constant 0 : i32
    %dma_start3A_3 = arith.constant 0 : i32
    %dma_start3A_4 = tpu.memref_slice %arg2[%dma_start3A, %dma_start3A_3] : memref<4160x768xf32, #tpu.memory_space<hbm>> -> memref<4160x768xf32, #tpu.memory_space<hbm>>
    tpu.enqueue_indirect_dma source(%dma_start3A_4 : memref<4160x768xf32, #tpu.memory_space<hbm>>) target(%arg6 : memref<64x768xf32, #tpu.memory_space<vmem>>) offsets(%arg5 : memref<64xi32, #tpu.memory_space<vmem>>) semaphore(%arg7 : memref<!tpu.dma_semaphore, #tpu.memory_space<semaphore_mem>>)
    %dma_wait3A = arith.constant 0 : i32
    %dma_wait3A_5 = arith.constant 0 : i32
    %dma_wait3A_6 = tpu.memref_slice %arg2[%dma_wait3A, %dma_wait3A_5] : memref<4160x768xf32, #tpu.memory_space<hbm>> -> memref<4160x768xf32, #tpu.memory_space<hbm>>
    tpu.wait_indirect_dma semaphore(%arg7 : memref<!tpu.dma_semaphore, #tpu.memory_space<semaphore_mem>>) src(%dma_wait3A_6 : memref<4160x768xf32, #tpu.memory_space<hbm>>) dst(%arg6 : memref<64x768xf32, #tpu.memory_space<vmem>>)
    "tpu.region"() ({
      %run_scoped3A = tpu.sem_alloc : memref<!tpu.dma_semaphore, #tpu.memory_space<semaphore_mem>>
      %dma_start3A_7 = arith.constant 0 : i32
      %dma_start3A_8 = tpu.memref_slice %arg4[%mul3A_2, %dma_start3A_7] : memref<2048x768xf32, #tpu.memory_space<hbm>> -> memref<64x768xf32, #tpu.memory_space<hbm>>
      %dma_start3A_9 = arith.constant 0 : i32
      %dma_start3A_10 = tpu.memref_slice %arg4[%mul3A_2, %dma_start3A_9] : memref<2048x768xf32, #tpu.memory_space<hbm>> -> memref<64x768xf32, #tpu.memory_space<hbm>>
      tpu.enqueue_dma source(%arg6 : memref<64x768xf32, #tpu.memory_space<vmem>>) target(%dma_start3A_10 : memref<64x768xf32, #tpu.memory_space<hbm>>) target_semaphore(%run_scoped3A : memref<!tpu.dma_semaphore, #tpu.memory_space<semaphore_mem>>)
      %dma_wait3A_11 = arith.constant 0 : i32
      %dma_wait3A_12 = tpu.memref_slice %arg4[%mul3A_2, %dma_wait3A_11] : memref<2048x768xf32, #tpu.memory_space<hbm>> -> memref<64x768xf32, #tpu.memory_space<hbm>>
      %dma_wait3A_13 = arith.constant 0 : i32
      %dma_wait3A_14 = tpu.memref_slice %arg4[%mul3A_2, %dma_wait3A_13] : memref<2048x768xf32, #tpu.memory_space<hbm>> -> memref<64x768xf32, #tpu.memory_space<hbm>>
      tpu.wait_dma2 semaphore(%run_scoped3A : memref<!tpu.dma_semaphore, #tpu.memory_space<semaphore_mem>>) src(%arg6 : memref<64x768xf32, #tpu.memory_space<vmem>>) dst(%dma_wait3A_14 : memref<64x768xf32, #tpu.memory_space<hbm>>)
      tpu.yield
    }) : () -> ()
    return
  }
}

module attributes {stable_mosaic.version = 14 : i64} {
  func.func @_routing_kernel(%arg0: memref<2048x768xf32, #tpu.memory_space<vmem>>, %arg1: memref<768x64xf32, #tpu.memory_space<vmem>>, %arg2: memref<2048x1xi32, #tpu.memory_space<vmem>>, %arg3: memref<2048x128xf32, #tpu.memory_space<vmem>>) attributes {dimension_semantics = [], scalar_prefetch = 0 : i64, scratch_operands = 0 : i64, tpu.core_type = #tpu.core_type<tc>} {
    %get3A = arith.constant 0 : index
    %get3A_0 = arith.constant 0 : index
    %get3A_1 = vector.load %arg0[%get3A, %get3A_0] : memref<2048x768xf32, #tpu.memory_space<vmem>>, vector<2048x768xf32>
    %get3A_2 = arith.constant 0 : index
    %get3A_3 = arith.constant 0 : index
    %get3A_4 = vector.load %arg1[%get3A_2, %get3A_3] : memref<768x64xf32, #tpu.memory_space<vmem>>, vector<768x64xf32>
    %dot_general3A = arith.constant dense<0.000000e+00> : vector<2048x64xf32>
    %dot_general3A_5 = tpu.matmul %get3A_1, %get3A_4, %dot_general3A {dimension_numbers = #tpu.dot_dimension_numbers<[1], [0], [0], [1], [0, 0, 1, 1], [], []>, transpose_lhs_hint = false} : vector<2048x768xf32>, vector<768x64xf32>, vector<2048x64xf32> -> vector<2048x64xf32>
    %reduce_max3A = arith.constant dense<0xFF800000> : vector<2048xf32>
    %reduce_max3A_6 = vector.multi_reduction <maximumf>, %dot_general3A_5, %reduce_max3A [1] : vector<2048x64xf32> to vector<2048xf32>
    %broadcast_in_dim3A = vector.shape_cast %reduce_max3A_6 : vector<2048xf32> to vector<2048x1xf32>
    %sub3A = vector.broadcast %broadcast_in_dim3A : vector<2048x1xf32> to vector<2048x64xf32>
    %sub3A_7 = arith.subf %dot_general3A_5, %sub3A : vector<2048x64xf32>
    %exp3A = math.exp %sub3A_7 : vector<2048x64xf32>
    %reduce_sum3A = arith.constant dense<0.000000e+00> : vector<2048xf32>
    %reduce_sum3A_8 = vector.multi_reduction <add>, %exp3A, %reduce_sum3A [1] : vector<2048x64xf32> to vector<2048xf32>
    %broadcast_in_dim3A_9 = vector.shape_cast %reduce_sum3A_8 : vector<2048xf32> to vector<2048x1xf32>
    %div3A = arith.constant 1.000000e+00 : f32
    %div3A_10 = vector.broadcast %div3A : f32 to vector<2048x1xf32>
    %div3A_11 = arith.divf %div3A_10, %broadcast_in_dim3A_9 : vector<2048x1xf32>
    %iota3A = tpu.iota {dimensions = array<i32: 1>} : vector<2048x64xi32>
    %ge3A = vector.broadcast %broadcast_in_dim3A : vector<2048x1xf32> to vector<2048x64xf32>
    %ge3A_12 = arith.cmpf oge, %dot_general3A_5, %ge3A : vector<2048x64xf32>
    %jit3A = arith.constant 64 : i32
    %broadcast_in_dim3A_13 = vector.broadcast %jit3A : i32 to vector<2048x64xi32>
    %select_n3A = arith.select %ge3A_12, %iota3A, %broadcast_in_dim3A_13 : vector<2048x64xi1>, vector<2048x64xi32>
    %reduce_min3A = arith.constant dense<2147483647> : vector<2048xi32>
    %reduce_min3A_14 = vector.multi_reduction <minsi>, %select_n3A, %reduce_min3A [1] : vector<2048x64xi32> to vector<2048xi32>
    %broadcast_in_dim3A_15 = vector.shape_cast %reduce_min3A_14 : vector<2048xi32> to vector<2048x1xi32>
    %eq3A = vector.broadcast %broadcast_in_dim3A_15 : vector<2048x1xi32> to vector<2048x64xi32>
    %eq3A_16 = arith.cmpi eq, %iota3A, %eq3A : vector<2048x64xi32>
    %convert_element_type3A = arith.extui %eq3A_16 : vector<2048x64xi1> to vector<2048x64xi32>
    %convert_element_type3A_17 = arith.sitofp %convert_element_type3A : vector<2048x64xi32> to vector<2048x64xf32>
    %iota3A_18 = tpu.iota {dimensions = array<i32: 0>} : vector<2048x2048xi32>
    %iota3A_19 = tpu.iota {dimensions = array<i32: 1>} : vector<2048x2048xi32>
    %ge3A_20 = arith.cmpi sge, %iota3A_18, %iota3A_19 : vector<2048x2048xi32>
    %convert_element_type3A_21 = arith.extui %ge3A_20 : vector<2048x2048xi1> to vector<2048x2048xi32>
    %convert_element_type3A_22 = arith.sitofp %convert_element_type3A_21 : vector<2048x2048xi32> to vector<2048x2048xf32>
    %dot_general3A_23 = arith.constant dense<0.000000e+00> : vector<2048x64xf32>
    %dot_general3A_24 = tpu.matmul %convert_element_type3A_22, %convert_element_type3A_17, %dot_general3A_23 {dimension_numbers = #tpu.dot_dimension_numbers<[1], [0], [0], [1], [0, 0, 1, 1], [], []>, transpose_lhs_hint = false} : vector<2048x2048xf32>, vector<2048x64xf32>, vector<2048x64xf32> -> vector<2048x64xf32>
    %mul3A = arith.mulf %dot_general3A_24, %convert_element_type3A_17 : vector<2048x64xf32>
    %reduce_sum3A_25 = arith.constant dense<0.000000e+00> : vector<2048xf32>
    %reduce_sum3A_26 = vector.multi_reduction <add>, %mul3A, %reduce_sum3A_25 [1] : vector<2048x64xf32> to vector<2048xf32>
    %broadcast_in_dim3A_27 = vector.shape_cast %reduce_sum3A_26 : vector<2048xf32> to vector<2048x1xf32>
    %sub3A_28 = arith.constant 1.000000e+00 : f32
    %sub3A_29 = vector.broadcast %sub3A_28 : f32 to vector<2048x1xf32>
    %sub3A_30 = arith.subf %broadcast_in_dim3A_27, %sub3A_29 : vector<2048x1xf32>
    %lt3A = arith.constant 6.400000e+01 : f32
    %lt3A_31 = vector.broadcast %lt3A : f32 to vector<2048x1xf32>
    %lt3A_32 = arith.cmpf olt, %sub3A_30, %lt3A_31 : vector<2048x1xf32>
    %convert_element_type3A_33 = arith.fptosi %sub3A_30 : vector<2048x1xf32> to vector<2048x1xi32>
    %jit3A_34 = arith.constant 0 : i32
    %jit3A_35 = arith.constant 63 : i32
    %max3A = vector.broadcast %jit3A_34 : i32 to vector<2048x1xi32>
    %max3A_36 = arith.maxsi %max3A, %convert_element_type3A_33 : vector<2048x1xi32>
    %min3A = vector.broadcast %jit3A_35 : i32 to vector<2048x1xi32>
    %min3A_37 = arith.minsi %min3A, %max3A_36 : vector<2048x1xi32>
    %mul3A_38 = arith.constant 64 : i32
    %mul3A_39 = vector.broadcast %mul3A_38 : i32 to vector<2048x1xi32>
    %mul3A_40 = arith.muli %broadcast_in_dim3A_15, %mul3A_39 : vector<2048x1xi32>
    %add3A = arith.addi %mul3A_40, %min3A_37 : vector<2048x1xi32>
    %jit3A_41 = arith.constant 4096 : i32
    %broadcast_in_dim3A_42 = vector.broadcast %jit3A_41 : i32 to vector<2048x1xi32>
    %select_n3A_43 = arith.select %lt3A_32, %add3A, %broadcast_in_dim3A_42 : vector<2048x1xi1>, vector<2048x1xi32>
    %swap3A = arith.constant 0 : index
    %swap3A_44 = arith.constant 0 : index
    %swap3A_45 = vector.load %arg2[%swap3A, %swap3A_44] : memref<2048x1xi32, #tpu.memory_space<vmem>>, vector<2048x1xi32>
    tpu.vector_store %arg2[%swap3A, %swap3A_44], %select_n3A_43 {strides = array<i32>} : memref<2048x1xi32, #tpu.memory_space<vmem>>, vector<2048x1xi32>,
    %jit3A_46 = arith.constant 0.000000e+00 : f32
    %broadcast_in_dim3A_47 = vector.broadcast %jit3A_46 : f32 to vector<2048x1xf32>
    %select_n3A_48 = arith.select %lt3A_32, %div3A_11, %broadcast_in_dim3A_47 : vector<2048x1xi1>, vector<2048x1xf32>
    %broadcast_in_dim3A_49 = vector.shape_cast %select_n3A_48 : vector<2048x1xf32> to vector<2048x1xf32>
    %broadcast_in_dim3A_50 = vector.broadcast %broadcast_in_dim3A_49 : vector<2048x1xf32> to vector<2048x128xf32>
    %swap3A_51 = arith.constant 0 : index
    %swap3A_52 = arith.constant 0 : index
    %swap3A_53 = vector.load %arg3[%swap3A_51, %swap3A_52] : memref<2048x128xf32, #tpu.memory_space<vmem>>, vector<2048x128xf32>
    tpu.vector_store %arg3[%swap3A_51, %swap3A_52], %broadcast_in_dim3A_50 {strides = array<i32>} : memref<2048x128xf32, #tpu.memory_space<vmem>>, vector<2048x128xf32>,
    return
  }
}

module attributes {stable_mosaic.version = 14 : i64} {
  func.func @_ffn_kernel(%arg0: i32, %arg1: memref<64x768xf32, #tpu.memory_space<vmem>>, %arg2: memref<64x128xf32, #tpu.memory_space<vmem>>, %arg3: memref<1x768x512xf32, #tpu.memory_space<vmem>>, %arg4: memref<1x512x768xf32, #tpu.memory_space<vmem>>, %arg5: memref<64x768xf32, #tpu.memory_space<vmem>>) attributes {dimension_semantics = [#tpu.dimension_semantics<arbitrary>], iteration_bounds = array<i64: 65>, scalar_prefetch = 0 : i64, scratch_operands = 0 : i64, tpu.core_type = #tpu.core_type<tc>, window_params = [{transform_indices = @transform_0, window_bounds = array<i64: 64, 768>}, {transform_indices = @transform_1, window_bounds = array<i64: 64, 128>}, {transform_indices = @transform_2, window_bounds = array<i64: 1, 768, 512>}, {transform_indices = @transform_3, window_bounds = array<i64: 1, 512, 768>}, {transform_indices = @transform_4, window_bounds = array<i64: 64, 768>}]} {
    %lt3A = arith.constant 64 : i32
    %lt3A_0 = arith.cmpi slt, %arg0, %lt3A : i32
    %convert_element_type3A = arith.extui %lt3A_0 : i1 to i32
    %cond3A = arith.constant 0 : i32
    %cond3A_1 = arith.cmpi ne, %convert_element_type3A, %cond3A : i32
    scf.if %cond3A_1 {
      %get3A = arith.constant 0 : index
      %get3A_6 = arith.constant 0 : index
      %get3A_7 = vector.load %arg1[%get3A, %get3A_6] : memref<64x768xf32, #tpu.memory_space<vmem>>, vector<64x768xf32>
      %get3A_8 = arith.constant 0 : index
      %get3A_9 = arith.constant 0 : index
      %get3A_10 = arith.constant 0 : index
      %get3A_11 = vector.load %arg3[%get3A_8, %get3A_9, %get3A_10] : memref<1x768x512xf32, #tpu.memory_space<vmem>>, vector<1x768x512xf32>
      %get3A_12 = vector.shape_cast %get3A_11 : vector<1x768x512xf32> to vector<768x512xf32>
      %dot_general3A = arith.constant dense<0.000000e+00> : vector<64x512xf32>
      %dot_general3A_13 = tpu.matmul %get3A_7, %get3A_12, %dot_general3A {dimension_numbers = #tpu.dot_dimension_numbers<[1], [0], [0], [1], [0, 0, 1, 1], [], []>, transpose_lhs_hint = false} : vector<64x768xf32>, vector<768x512xf32>, vector<64x512xf32> -> vector<64x512xf32>
      %neg3A = arith.constant 0.000000e+00 : f32
      %neg3A_14 = vector.broadcast %neg3A : f32 to vector<64x512xf32>
      %neg3A_15 = arith.subf %neg3A_14, %dot_general3A_13 : vector<64x512xf32>
      %exp3A = math.exp %neg3A_15 : vector<64x512xf32>
      %add3A = arith.constant 1.000000e+00 : f32
      %add3A_16 = vector.broadcast %add3A : f32 to vector<64x512xf32>
      %add3A_17 = arith.addf %add3A_16, %exp3A : vector<64x512xf32>
      %div3A = arith.constant 1.000000e+00 : f32
      %div3A_18 = vector.broadcast %div3A : f32 to vector<64x512xf32>
      %div3A_19 = arith.divf %div3A_18, %add3A_17 : vector<64x512xf32>
      %mul3A = arith.mulf %dot_general3A_13, %div3A_19 : vector<64x512xf32>
      %get3A_20 = arith.constant 0 : index
      %get3A_21 = arith.constant 0 : index
      %get3A_22 = arith.constant 0 : index
      %get3A_23 = vector.load %arg4[%get3A_20, %get3A_21, %get3A_22] : memref<1x512x768xf32, #tpu.memory_space<vmem>>, vector<1x512x768xf32>
      %get3A_24 = vector.shape_cast %get3A_23 : vector<1x512x768xf32> to vector<512x768xf32>
      %dot_general3A_25 = arith.constant dense<0.000000e+00> : vector<64x768xf32>
      %dot_general3A_26 = tpu.matmul %mul3A, %get3A_24, %dot_general3A_25 {dimension_numbers = #tpu.dot_dimension_numbers<[1], [0], [0], [1], [0, 0, 1, 1], [], []>, transpose_lhs_hint = false} : vector<64x512xf32>, vector<512x768xf32>, vector<64x768xf32> -> vector<64x768xf32>
      %get3A_27 = arith.constant 0 : index
      %get3A_28 = arith.constant 0 : index
      %get3A_29 = vector.load %arg2[%get3A_27, %get3A_28] : memref<64x128xf32, #tpu.memory_space<vmem>>, vector<64x1xf32>
      %mul3A_30 = vector.broadcast %get3A_29 : vector<64x1xf32> to vector<64x768xf32>
      %mul3A_31 = arith.mulf %dot_general3A_26, %mul3A_30 : vector<64x768xf32>
      %swap3A = arith.constant 0 : index
      %swap3A_32 = arith.constant 0 : index
      %swap3A_33 = vector.load %arg5[%swap3A, %swap3A_32] : memref<64x768xf32, #tpu.memory_space<vmem>>, vector<64x768xf32>
      tpu.vector_store %arg5[%swap3A, %swap3A_32], %mul3A_31 {strides = array<i32>} : memref<64x768xf32, #tpu.memory_space<vmem>>, vector<64x768xf32>,
    } else {
    }
    %eq3A = arith.constant 64 : i32
    %eq3A_2 = arith.cmpi eq, %arg0, %eq3A : i32
    %convert_element_type3A_3 = arith.extui %eq3A_2 : i1 to i32
    %cond3A_4 = arith.constant 0 : i32
    %cond3A_5 = arith.cmpi ne, %convert_element_type3A_3, %cond3A_4 : i32
    scf.if %cond3A_5 {
      %broadcast_in_dim3A = arith.constant 0.000000e+00 : f32
      %broadcast_in_dim3A_6 = vector.broadcast %broadcast_in_dim3A : f32 to vector<64x768xf32>
      %swap3A = arith.constant 0 : index
      %swap3A_7 = arith.constant 0 : index
      %swap3A_8 = vector.load %arg5[%swap3A, %swap3A_7] : memref<64x768xf32, #tpu.memory_space<vmem>>, vector<64x768xf32>
      tpu.vector_store %arg5[%swap3A, %swap3A_7], %broadcast_in_dim3A_6 {strides = array<i32>} : memref<64x768xf32, #tpu.memory_space<vmem>>, vector<64x768xf32>,
    } else {
    }
    return
  }
  func.func @transform_0(%arg0: i32) -> (i32, i32) {
    %min3A = arith.constant 63 : i32
    %min3A_0 = arith.minsi %arg0, %min3A : i32
    %c0_i32 = arith.constant 0 : i32
    %c0_i32_1 = arith.constant 0 : i32
    return %min3A_0, %c0_i32 : i32, i32
  }
  func.func @transform_1(%arg0: i32) -> (i32, i32) {
    %min3A = arith.constant 63 : i32
    %min3A_0 = arith.minsi %arg0, %min3A : i32
    %c0_i32 = arith.constant 0 : i32
    %c0_i32_1 = arith.constant 0 : i32
    return %min3A_0, %c0_i32 : i32, i32
  }
  func.func @transform_2(%arg0: i32) -> (i32, i32, i32) {
    %min3A = arith.constant 63 : i32
    %min3A_0 = arith.minsi %arg0, %min3A : i32
    %c0_i32 = arith.constant 0 : i32
    %c0_i32_1 = arith.constant 0 : i32
    %c0_i32_2 = arith.constant 0 : i32
    return %min3A_0, %c0_i32, %c0_i32_1 : i32, i32, i32
  }
  func.func @transform_3(%arg0: i32) -> (i32, i32, i32) {
    %min3A = arith.constant 63 : i32
    %min3A_0 = arith.minsi %arg0, %min3A : i32
    %c0_i32 = arith.constant 0 : i32
    %c0_i32_1 = arith.constant 0 : i32
    %c0_i32_2 = arith.constant 0 : i32
    return %min3A_0, %c0_i32, %c0_i32_1 : i32, i32, i32
  }
  func.func @transform_4(%arg0: i32) -> (i32, i32) {
    %c0_i32 = arith.constant 0 : i32
    %c0_i32_0 = arith.constant 0 : i32
    return %arg0, %c0_i32 : i32, i32
  }
}

</mosaic_0001>

<sc_bundles>
// kernel: kernel.6.cloned.1.call-start
scs
__scs_entry_jumppad:
0x0: {  	(pc) =	sbr.rel $0x88, $3  }
0x1: {  	(tag) =	ssettag $0x0;
	lr =	simm.s32 $0x1  }
0x2: {  	[smem:$0x3F9D] =	sst lr;
	_ =	strace $0xD0000000  }
0x3: {  	_ = 	snop  }
0x4: {  	_ = 	snop  }
0x5: {  	_ = 	snop  }
0x6: {  	_ = 	snop  }
0x7: {  	_ = 	snop  }
__scs_overlays_trampoline_lowered:
0x8: {  	[smem:$0x3FAC] =	sst s0  }
0x9: {  	[smem:$0x3FAD] =	sst s1  }
0xa: {  	[smem:$0x3FAE] =	sst s2  }
0xb: {  	[smem:$0x3FAF] =	sst s3  }
0xc: {  	[smem:$0x3FB0] =	sst s4  }
0xd: {  	[smem:$0x3FB1] =	sst s5  }
0xe: {  	[smem:$0x3FB2] =	sst s6  }
0xf: {  	[smem:$0x3FB3] =	sst s7  }
0x10: {  	[smem:$0x3FB4] =	sst s8  }
0x11: {  	[smem:$0x3FB5] =	sst s9;
	s0 =	simm.s32 @!p0 $0x0  }
0x12: {  	s1 =	sld [smem:$0x3F9B];
	s0 =	simm.s32 @p0 $0x1  }
0x13: {  	[smem:$0x3FB6] =	sst s0;
	s0 =	simm.s32 @!p1 $0x0  }
0x14: {  	s2 =	sld [smem:$0x3F9A];
	s0 =	simm.s32 @p1 $0x1  }
0x15: {  	[smem:$0x3FB7] =	sst s0;
	s0 =	simm.s32 @!p2 $0x0  }
0x16: {  	s3 =	sld [smem:$0x3FDB];
	s0 =	simm.s32 @p2 $0x1  }
0x17: {  	s4 =	simm.s32 $0x1BF5;
	[smem:$0x3FB9] =	sst s0  }
0x18: {  	s0 =	sld [smem:$0x3F9C];
	_ =	swait.ge [sflag:s4], $0x0  }
0x19: {  	s7 =	sld [smem:$0x3F9D]  }
0x1a: {  	s8 =	sadd.s32 $0xFFFFE003, lr  }
0x1b: {  	s9 =	sadd.s32 $0xFFFFFEF7, lr;
	s5 =	simm.s32 $0xFFFFFFFF;
	p2 =	slt.u32 s8, $0xFFFFF086  }
0x1c: {  	p1 =	slt.u32 s9, $0xF7A;
	s5 =	simm.s32 @!p2 $0x0  }
0x1d: {  	s5 =	simm.s32 @p1 $0x1;
	p0 =	seq.s32 s7, s2  }
0x1e: {  	s7 =	smul.u32 @!p0 $0xF7A, s2;
	p2 =	seq.s32 @!p0 s5, $0x0  }
0x1f: {  	s9 =	smul.u32 $0xF7A, s1;
	s8 =	simm.s32 @!p0 $0x1BF5;
	p2 =	por !p2, p0  }
0x20: {  	[sflag:s8] =	ssyncset.s32 @!p0 $0xFFFFF086;
	s6 =	sadd.s32 @!p0 s3, s7;
	s7 =	simm.s32 @!p0 $0x108  }
0x21: {  	s3 =	sadd.s32 s3, s9;
	s6 =	sadd.s32 @!p0 $0x88, s6;
	s7 =	simm.s32 @p2 $0x1082  }
0x22: {  	[simem:s7], [sflag:s8] =	dma.local @!p0 [hbm:s6], $0xF7A  }
0x23: {  	s9 =	sor.u32 $0xD0000000, s2;
	s6 =	simm.s32 $0x108;
	_ =	swait.ge @!p0 [sflag:s8], $0x0  }
0x24: {  	s3 =	sadd.s32 $0x88, s3;
	s6 =	simm.s32 @!p1 $0x1082;
	[sflag:s4] =	ssyncset.s32 $0xFFFFF086  }
0x25: {  	[simem:s6], [sflag:s4] =	dma.local [hbm:s3], $0xF7A  }
0x26: {  	[smem:$0x3F9D] =	sst s1;
	(tag) =	ssettag s2;
	_ =	strace s9  }
0x27: {  	s1 =	sld [smem:$0x3FAD]  }
0x28: {  	s2 =	sld [smem:$0x3FAE]  }
0x29: {  	s4 =	sld [smem:$0x3FB0]  }
0x2a: {  	p0 =	seq.s32 s5, $0x0;
	s5 =	sld [smem:$0x3FB1]  }
0x2b: {  	s6 =	sld [smem:$0x3FB2]  }
0x2c: {  	s7 =	sld [smem:$0x3FB3]  }
0x2d: {  	s3 =	simm.s32 $0x108;
	s8 =	sld [smem:$0x3FB4]  }
0x2e: {  	s3 =	simm.s32 @!p0 $0x1082;
	s9 =	sld [smem:$0x3FB5]  }
0x2f: {  	lr =	sadd.s32 s0, s3;
	s0 =	sld [smem:$0x3FAC]  }
0x30: {  	s3 =	sld [smem:$0x3FAF]  }
0x31: {  	[smem:$0x3FB8] =	sst s10  }
0x32: {  	s10 =	sld [smem:$0x3FB6];
	_ =	sdelay $0x3  }
0x33: {  	p0 =	seq.s32 s10, $0x1;
	s10 =	sld [smem:$0x3FB8];
	_ =	sdelay $0x3  }
0x34: {  	[smem:$0x3FB8] =	sst s10  }
0x35: {  	s10 =	sld [smem:$0x3FB7];
	_ =	sdelay $0x3  }
0x36: {  	p1 =	seq.s32 s10, $0x1;
	s10 =	sld [smem:$0x3FB8];
	_ =	sdelay $0x3  }
0x37: {  	[smem:$0x3FB8] =	sst s10  }
0x38: {  	s10 =	sld [smem:$0x3FB9]  }
0x39: {  	_ = 	snop;
	(pc) =	sbr.ind lr, $3  }
0x3a: {  	_ = 	snop  }
0x3b: {  	_ = 	snop  }
0x3c: {  	p2 =	seq.s32 s10, $0x1;
	s10 =	sld [smem:$0x3FB8]  }
0x3d: {  	_ =	shalt  }
0x3e: {  	_ =	shalt  }
0x3f: {  	_ =	shalt  }
0x40: {  	_ =	shalt  }
0x41: {  	_ =	shalt  }
0x42: {  	_ =	shalt  }
0x43: {  	_ =	shalt  }
0x44: {  	_ =	shalt  }
0x45: {  	_ =	shalt  }
0x46: {  	_ =	shalt  }
0x47: {  	_ =	shalt  }
0x48: {  	_ =	shalt  }
0x49: {  	_ =	shalt  }
0x4a: {  	_ =	shalt  }
0x4b: {  	_ =	shalt  }
0x4c: {  	_ =	shalt  }
0x4d: {  	_ =	shalt  }
0x4e: {  	_ =	shalt  }
0x4f: {  	_ =	shalt  }
0x50: {  	_ =	shalt  }
0x51: {  	_ =	shalt  }
0x52: {  	_ =	shalt  }
0x53: {  	_ =	shalt  }
0x54: {  	_ =	shalt  }
0x55: {  	_ =	shalt  }
0x56: {  	_ =	shalt  }
0x57: {  	_ =	shalt  }
0x58: {  	_ =	shalt  }
0x59: {  	_ =	shalt  }
0x5a: {  	_ =	shalt  }
0x5b: {  	_ =	shalt  }
0x5c: {  	_ =	shalt  }
0x5d: {  	_ =	shalt  }
0x5e: {  	_ =	shalt  }
0x5f: {  	_ =	shalt  }
0x60: {  	_ =	shalt  }
0x61: {  	_ =	shalt  }
0x62: {  	_ =	shalt  }
0x63: {  	_ =	shalt  }
0x64: {  	_ =	shalt  }
0x65: {  	_ =	shalt  }
0x66: {  	_ =	shalt  }
0x67: {  	_ =	shalt  }
0x68: {  	_ =	shalt  }
0x69: {  	_ =	shalt  }
0x6a: {  	_ =	shalt  }
0x6b: {  	_ =	shalt  }
0x6c: {  	_ =	shalt  }
0x6d: {  	_ =	shalt  }
0x6e: {  	_ =	shalt  }
0x6f: {  	_ =	shalt  }
0x70: {  	_ =	shalt  }
0x71: {  	_ =	shalt  }
0x72: {  	_ =	shalt  }
0x73: {  	_ =	shalt  }
0x74: {  	_ =	shalt  }
0x75: {  	_ =	shalt  }
0x76: {  	_ =	shalt  }
0x77: {  	_ =	shalt  }
0x78: {  	_ =	shalt  }
0x79: {  	_ =	shalt  }
0x7a: {  	_ =	shalt  }
0x7b: {  	_ =	shalt  }
0x7c: {  	_ =	shalt  }
0x7d: {  	_ =	shalt  }
0x7e: {  	_ =	shalt  }
0x7f: {  	_ =	shalt  }
0x80: {  	_ =	shalt  }
0x81: {  	_ =	shalt  }
0x82: {  	_ =	shalt  }
0x83: {  	_ =	shalt  }
0x84: {  	_ =	shalt  }
0x85: {  	_ =	shalt  }
0x86: {  	_ =	shalt  }
0x87: {  	_ =	shalt  }
.Lfunc_end0:
.L_simem_size_0:
called_computation_lowered:
.L_overlay_start_0:
0x88: {  	s2 =	sld [smem:$0x3FD9]  }
0x89: {  	s3 =	sld [smem:$0x3FFE];
	_ =	sdelay $0x1  }
0x8a: {  	s1 =	srdreg.scid  }
0x8b: {  	s0 =	sand.u32 $0x1, s1  }
0x8c: {  	s17 =	sshll.u32 s0, $0xA;
	s2 =	sadd.s32 s3, s2  }
0x8d: {  	s2 =	sadd.s32 s2, s17  }
0x8e: {  	[smem:$0x3FC4] =	sst s2  }
0x8f: {  	_ = 	snop  }
0x90: {  	s2 =	sld [smem:$0x3FC9]  }
0x91: {  	s18 =	sld [smem:$0x3FD0];
	(tm) =	ssettm $0x1  }
0x92: {  	s4 =	sld [smem:$0x3FFB];
	_ =	sdelay $0x3  }
0x93: {  	_ =	strace s4  }
0x94: {  	s4 =	sld [smem:$0x3FFC];
	_ =	sdelay $0x3  }
0x95: {  	_ =	strace s4  }
0x96: {  	s4 =	sld [smem:$0x3FFD];
	_ =	sdelay $0x3  }
0x97: {  	_ =	strace s4  }
0x98: {  	_ =	strace $0x8FFFFFFF  }
0x99: {  	s19 =	sld [smem:$0x3FDB];
	_ =	sdelay $0x1  }
0x9a: {  	s5 =	simm.s32 $_scs_section_size  }
0x9b: {  	s6 =	simm.s32 $_size__tile_overlayer_lowered;
	s7 =	simm.s32 $_tile_overlayer_lowered  }
0x9c: {  	s22 =	simm.s32 $0x1BFF;
	s21 =	sshll.u32 s7, $0x1;
	s4 =	sadd.s32 s5, s19  }
0x9d: {  	s8 =	simm.s32 $0x0;
	s20 =	sshll.u32 s6, $0x1;
	s6 =	sadd.s32 s21, s4  }
0x9e: {  	[timem:s8], [sflag:s22] =	dma.local [hbm:s6], s20  }
0x9f: {  	_ =	swait.ge [sflag:s22], s20  }
0xa0: {  	s5 =	ssub.s32 $0x0, s20;
	[sflag:s22] =	ssyncset.done $0x0  }
0xa1: {  	[sflag:s22] =	ssyncadd.s32 s5;
	_ =	sdelay $0x1  }
0xa2: {  	s23 =	simm.s32 $0x1B8B  }
0xa3: {  	_ =	swait.ge [sflag:s23], $0x1  }
0xa4: {  	[sflag:s23] =	ssyncset.done $0x0  }
0xa5: {  	s25 =	simm.s32 $0x1B8E;
	s24 =	sld [smem:$0x3FFE];
	[sflag:s23] =	ssyncadd.s32 $0xFFFFFFFF  }
0xa6: {  	s26 =	simm.s32 $execute0_lowered;
	[smem:$0x3FD2] =	sst s25  }
0xa7: {  	s6 =	sshll.u32 s26, $0x1;
	_ =	strace $0x80000046;
	[dreg:$0x1] =	wrdreg $0xFFFFFFFF  }
0xa8: {  	s28 =	simm.s32 $_size_execute0_lowered;
	s4 =	sadd.s32 s4, s6;
	[dreg:$0x0] =	wrdreg $0x0  }
0xa9: {  	s6 =	sshll.u32 s28, $0x1;
	[dreg:$0x2] =	wrdreg s4  }
0xaa: {  	[dreg:$0x3] =	wrdreg s6  }
0xab: {  	[dreg:$0x4] =	wrdreg $0xC0  }
0xac: {  	_ =	task [dreg:s8], $0x5FFFF  }
0xad: {  	[dreg:$0x1] =	wrdreg $0xFFFFFFFF  }
0xae: {  	[dreg:$0x0] =	wrdreg $0x60  }
0xaf: {  	[dreg:$0x2] =	wrdreg s2  }
0xb0: {  	[dreg:$0x3] =	wrdreg s24  }
0xb1: {  	[dreg:$0x4] =	wrdreg s18  }
0xb2: {  	[dreg:$0x5] =	wrdreg $0x9  }
0xb3: {  	_ =	task.clear_ibuf [dreg:s8], $0x6FFFF;
	_ =	strace $0x90000046  }
0xb4: {  	s29 =	simm.s32 $0x9;
	_ =	strace $0x80000048  }
0xb5: {  	_ =	swait.ge [sflag:s29], $0x1  }
0xb6: {  	[sflag:s29] =	ssyncadd.s32 $0xFFFFFFFF  }
0xb7: {  	_ =	strace $0x90000048  }
0xb8: {  	_ =	sfence  }
0xb9: {  	s30 =	sld [smem:$0x0];
	_ =	sdelay $0x2  }
0xba: {  	s31 =	sshll.u32 s1, $0xD;
	s1 =	sshrl.u32 s1, $0x2  }
0xbb: {  	s3 =	sand.u32 $0x4000, s31;
	s1 =	sadd.s32 s1, s30  }
0xbc: {  	s0 =	sor.u32 s3, s0;
	s1 =	sshll.u32 s1, $0x11  }
0xbd: {  	s0 =	sor.u32 s1, s0  }
0xbe: {  	s0 =	sadd.s32 $0x8F2B, s0  }
0xbf: {  	[sflag:s0] =	ssyncadd.remote.s32 $0x1  }
0xc0: {  	_ =	sfence.sel $0xFFFF  }
0xc1: {  	[dreg:$0x0] =	wrdreg $0xFFFFFFFF;
	(pc) =	sbr.abs _section_cstart, $3  }
0xc2: {  	[dreg:$0x1] =	wrdreg $0xFFFFFFFF  }
0xc3: {  	_ =	task.clear_ibuf [dreg:s8], $0x2FFFF;
	_ =	strace $0x9FFFFFFF  }
0xc4: {  	(tm) =	ssettm $0x7FFFFFFF  }
0xc5: {  	_ =	shalt  }
tec
execute0_lowered:
.L_overlay_start_1:
0x0: {  	(tag) =	ssettag $0x1  }
0x1: {  	s1 =	rddreg [dreg:$0x0]  }
0x2: {  	s5 =	rddreg [dreg:$0x1];
	s2 =	srdreg.scid  }
0x3: {  	s3 =	rddreg [dreg:$0x2];
	s0 =	stileid.u32;
	s23 =	simm.s32 $0x880  }
0x4: {  	s24 =	simm.s32 $0x1080;
	s25 =	simm.s32 $0x1880;
	s26 =	simm.s32 $0x2080  }
0x5: {  	s10 =	simm.s32 $0x3080;
	s11 =	simm.s32 $0x3880;
	s12 =	simm.s32 $0x4080  }
0x6: {  	s13 =	simm.s32 $0x4880;
	s14 =	simm.s32 $0x5080;
	s15 =	simm.s32 $0x5880  }
0x7: {  	s16 =	simm.s32 $0x6080;
	s17 =	simm.s32 $0x6880;
	s18 =	simm.s32 $0x7080  }
0x8: {  	s19 =	simm.s32 $0x7880;
	s20 =	simm.s32 $0x8080;
	s28 =	simm.s32 $0xB880  }
0x9: {  	s4 =	sand.u32 $0x1, s2;
	[dreg:$0x4] =	wrdreg s3;
	s2 =	simm.s32 $0x0  }
0xa: {  	s29 =	simm.s32 $0xC080;
	s30 =	simm.s32 $0x40;
	[smem:$0x7FF] =	sst s2  }
0xb: {  	s31 =	simm.s32 $0x1;
	_ =	strace $0x80000047;
	[dreg:$0x8] =	wrdreg s23  }
0xc: {  	s21 =	sshll.u32 s0, $0x7;
	s6 =	sshll.u32 s4, $0x6;
	[dreg:$0x9] =	wrdreg s24  }
0xd: {  	s4 =	ssub.s32 $0x2, s4;
	s3 =	sor.u32 s6, s21;
	[dreg:$0xa] =	wrdreg s25  }
0xe: {  	s9 =	sshrl.u32 s4, $0x1;
	[dreg:$0xb] =	wrdreg s26;
	s21 =	simm.s32 $0x8880  }
0xf: {  	s23 =	simm.s32 $0x9880;
	s24 =	simm.s32 $0xA080;
	s25 =	simm.s32 $0xA880  }
0x10: {  	s26 =	simm.s32 $0xB080;
	s6 =	sshrl.u32 s3, $0x3;
	s3 =	sshll.u32 s3, $0x4  }
0x11: {  	s9 =	ssub.s32 s4, s9;
	s4 =	sadd.s32 $0x9500, s5;
	s7 =	sadd.s32 s6, s5  }
0x12: {  	s8 =	sadd.s32 s3, s5;
	s6 =	smul.u32 $0x300, s6;
	s3 =	sadd.s32 $0x9400, s5  }
0x13: {  	s5 =	sadd.s32 $0x9600, s5;
	s7 =	sadd.s32 $0x9200, s7;
	s22 =	sadd.s32 $0x1200, s8  }
0x14: {  	v2 =	vlaneseq.u32;
	s8 =	simm.s32 $0x80;
	[dreg:$0x5] =	wrdreg s7;
	s1 =	sadd.s32 s1, s6  }
0x15: {  	vm0 =	vmmov $0xffff;
	v1 =	vshrl.u32 v2, $0x3;
	[dreg:$0x7] =	wrdreg s22;
	s6 =	smax.u32 s9, $0x1;
	s7 =	simm.s32 $0x3  }
0x16: {  	v0 =	vand.u32 $0x7, v2;
	v2 =	vor.u32 $0x8, v2;
	v1 =	vmul.u32 $0x8, v1;
	s22 =	simm.s32 $0x9080;
	[dreg:$0x6] =	wrdreg s1;
	s1 =	simm.s32 $0x2  }
.LBB2_1:
0x17: {  	s0 =	rddreg [dreg:$0x5]  }
0x18: {  	[tilespmem:s2], [sflag:$0x3] =	stream.linear.gather [hbm4b:s0+s2], $0x40, $0x38;
	[tilespmem:$0xE080] =	vst v63  }
0x19: {  	_ =	swait.ge [sflag:s7], $0x40  }
0x1a: {  	[sflag:s7] =	ssyncset.done $0x0  }
0x1b: {  	s9 =	rddreg [dreg:$0x6];
	[sflag:s7] =	ssyncadd.s32 $0xFFFFFFC0  }
0x1c: {  	[tilespmem:s8], [sflag:$0x3] =	stream.linear.gather [hbm4b:s9+s2], $0xC000, $0x38;
	[tilespmem:$0xE080] =	vst v63  }
0x1d: {  	_ =	swait.ge [sflag:s7], $0xC000  }
0x1e: {  	[sflag:s7] =	ssyncset.done $0x0  }
0x1f: {  	[sflag:s7] =	ssyncadd.s32 $0xFFFF4000  }
0x20: {  	v3 =	vld [tilespmem:$0x0];
	_ =	sdelay $0x4  }
0x21: {  	v4 =	vshrl.u32 v3, $0x3  }
0x22: {  	v4 =	vmul.u32 $0x30, v4  }
0x23: {  	v3 =	vand.u32 $0x7, v3  }
0x24: {  	v3 =	vor.u32 v3, v4  }
0x25: {  	v4 =	vperm.xlane v3, v0;
	_ =	sdelay $0x1  }
0x26: {  	v4 =	vadd.s32 v1, v4;
	_ =	sdelay $0x3  }
0x27: {  	v3 =	vperm.xlane v3, v2  }
0x28: {  	[hbm4b:s3+s2] =	stream.indirect_vreg.scatter [tilespmem:s8], [sflag:$0x1], $0x80, v4, vm0, $0xb8;
	[tilespmem:$0xE080] =	vst v63  }
0x29: {  	s0 =	rddreg [dreg:$0x8];
	v3 =	vadd.s32 v1, v3  }
0x2a: {  	[hbm4b:s4+s2] =	stream.indirect_vreg.scatter [tilespmem:s0], [sflag:$0x1], $0x80, v4, vm0, $0xb8;
	[tilespmem:$0xE080] =	vst v63  }
0x2b: {  	s9 =	rddreg [dreg:$0x9]  }
0x2c: {  	[hbm4b:s5+s2] =	stream.indirect_vreg.scatter [tilespmem:s9], [sflag:$0x1], $0x80, v4, vm0, $0xb8;
	[tilespmem:$0xE080] =	vst v63  }
0x2d: {  	s0 =	rddreg [dreg:$0xa]  }
0x2e: {  	[hbm4b:s3+s2] =	stream.indirect_vreg.scatter [tilespmem:s0], [sflag:$0x1], $0x80, v3, vm0, $0xb8;
	[tilespmem:$0xE080] =	vst v63  }
0x2f: {  	s9 =	rddreg [dreg:$0xb]  }
0x30: {  	[hbm4b:s4+s2] =	stream.indirect_vreg.scatter [tilespmem:s9], [sflag:$0x1], $0x80, v3, vm0, $0xb8;
	[tilespmem:$0xE080] =	vst v63  }
0x31: {  	s9 =	simm.s32 $0x2880  }
0x32: {  	[hbm4b:s5+s2] =	stream.indirect_vreg.scatter [tilespmem:s9], [sflag:$0x1], $0x80, v3, vm0, $0xb8;
	[tilespmem:$0xE080] =	vst v63  }
0x33: {  	v3 =	vld [tilespmem:$0x10];
	_ =	sdelay $0x4  }
0x34: {  	v61 =	vshrl.u32 v3, $0x3  }
0x35: {  	v4 =	vmul.u32 $0x30, v61  }
0x36: {  	v3 =	vand.u32 $0x7, v3  }
0x37: {  	v3 =	vor.u32 v3, v4  }
0x38: {  	v4 =	vperm.xlane v3, v0;
	_ =	sdelay $0x1  }
0x39: {  	v4 =	vadd.s32 v1, v4;
	_ =	sdelay $0x3  }
0x3a: {  	v3 =	vperm.xlane v3, v2  }
0x3b: {  	[hbm4b:s3+s2] =	stream.indirect_vreg.scatter [tilespmem:s10], [sflag:$0x1], $0x80, v4, vm0, $0xb8;
	[tilespmem:$0xE080] =	vst v63  }
0x3c: {  	v3 =	vadd.s32 v1, v3  }
0x3d: {  	[hbm4b:s4+s2] =	stream.indirect_vreg.scatter [tilespmem:s11], [sflag:$0x1], $0x80, v4, vm0, $0xb8;
	[tilespmem:$0xE080] =	vst v63  }
0x3e: {  	_ = 	snop  }
0x3f: {  	[hbm4b:s5+s2] =	stream.indirect_vreg.scatter [tilespmem:s12], [sflag:$0x1], $0x80, v4, vm0, $0xb8;
	[tilespmem:$0xE080] =	vst v63  }
0x40: {  	_ = 	snop  }
0x41: {  	[hbm4b:s3+s2] =	stream.indirect_vreg.scatter [tilespmem:s13], [sflag:$0x1], $0x80, v3, vm0, $0xb8;
	[tilespmem:$0xE080] =	vst v63  }
0x42: {  	_ = 	snop  }
0x43: {  	[hbm4b:s4+s2] =	stream.indirect_vreg.scatter [tilespmem:s14], [sflag:$0x1], $0x80, v3, vm0, $0xb8;
	[tilespmem:$0xE080] =	vst v63  }
0x44: {  	_ = 	snop  }
0x45: {  	[hbm4b:s5+s2] =	stream.indirect_vreg.scatter [tilespmem:s15], [sflag:$0x1], $0x80, v3, vm0, $0xb8;
	[tilespmem:$0xE080] =	vst v63  }
0x46: {  	v3 =	vld [tilespmem:$0x20];
	_ =	sdelay $0x4  }
0x47: {  	v62 =	vshrl.u32 v3, $0x3  }
0x48: {  	v4 =	vmul.u32 $0x30, v62  }
0x49: {  	v3 =	vand.u32 $0x7, v3  }
0x4a: {  	v3 =	vor.u32 v3, v4  }
0x4b: {  	v4 =	vperm.xlane v3, v0;
	_ =	sdelay $0x1  }
0x4c: {  	v4 =	vadd.s32 v1, v4;
	_ =	sdelay $0x3  }
0x4d: {  	v3 =	vperm.xlane v3, v2  }
0x4e: {  	[hbm4b:s3+s2] =	stream.indirect_vreg.scatter [tilespmem:s16], [sflag:$0x1], $0x80, v4, vm0, $0xb8;
	[tilespmem:$0xE080] =	vst v63  }
0x4f: {  	v3 =	vadd.s32 v1, v3  }
0x50: {  	[hbm4b:s4+s2] =	stream.indirect_vreg.scatter [tilespmem:s17], [sflag:$0x1], $0x80, v4, vm0, $0xb8;
	[tilespmem:$0xE080] =	vst v63  }
0x51: {  	_ = 	snop  }
0x52: {  	[hbm4b:s5+s2] =	stream.indirect_vreg.scatter [tilespmem:s18], [sflag:$0x1], $0x80, v4, vm0, $0xb8;
	[tilespmem:$0xE080] =	vst v63  }
0x53: {  	_ = 	snop  }
0x54: {  	[hbm4b:s3+s2] =	stream.indirect_vreg.scatter [tilespmem:s19], [sflag:$0x1], $0x80, v3, vm0, $0xb8;
	[tilespmem:$0xE080] =	vst v63  }
0x55: {  	_ = 	snop  }
0x56: {  	[hbm4b:s4+s2] =	stream.indirect_vreg.scatter [tilespmem:s20], [sflag:$0x1], $0x80, v3, vm0, $0xb8;
	[tilespmem:$0xE080] =	vst v63  }
0x57: {  	_ = 	snop  }
0x58: {  	[hbm4b:s5+s2] =	stream.indirect_vreg.scatter [tilespmem:s21], [sflag:$0x1], $0x80, v3, vm0, $0xb8;
	[tilespmem:$0xE080] =	vst v63  }
0x59: {  	v3 =	vld [tilespmem:$0x30];
	_ =	sdelay $0x4  }
0x5a: {  	v63 =	vshrl.u32 v3, $0x3  }
0x5b: {  	v4 =	vmul.u32 $0x30, v63  }
0x5c: {  	v3 =	vand.u32 $0x7, v3  }
0x5d: {  	v3 =	vor.u32 v3, v4  }
0x5e: {  	v4 =	vperm.xlane v3, v0;
	_ =	sdelay $0x1  }
0x5f: {  	v4 =	vadd.s32 v1, v4;
	_ =	sdelay $0x3  }
0x60: {  	v3 =	vperm.xlane v3, v2  }
0x61: {  	[hbm4b:s3+s2] =	stream.indirect_vreg.scatter [tilespmem:s22], [sflag:$0x1], $0x80, v4, vm0, $0xb8;
	[tilespmem:$0xE080] =	vst v63  }
0x62: {  	v3 =	vadd.s32 v1, v3  }
0x63: {  	[hbm4b:s4+s2] =	stream.indirect_vreg.scatter [tilespmem:s23], [sflag:$0x1], $0x80, v4, vm0, $0xb8;
	[tilespmem:$0xE080] =	vst v63  }
0x64: {  	_ = 	snop  }
0x65: {  	[hbm4b:s5+s2] =	stream.indirect_vreg.scatter [tilespmem:s24], [sflag:$0x1], $0x80, v4, vm0, $0xb8;
	[tilespmem:$0xE080] =	vst v63  }
0x66: {  	_ = 	snop  }
0x67: {  	[hbm4b:s3+s2] =	stream.indirect_vreg.scatter [tilespmem:s25], [sflag:$0x1], $0x80, v3, vm0, $0xb8;
	[tilespmem:$0xE080] =	vst v63  }
0x68: {  	_ = 	snop  }
0x69: {  	[hbm4b:s4+s2] =	stream.indirect_vreg.scatter [tilespmem:s26], [sflag:$0x1], $0x80, v3, vm0, $0xb8;
	[tilespmem:$0xE080] =	vst v63  }
0x6a: {  	_ = 	snop  }
0x6b: {  	[hbm4b:s5+s2] =	stream.indirect_vreg.scatter [tilespmem:s28], [sflag:$0x1], $0x80, v3, vm0, $0xb8;
	[tilespmem:$0xE080] =	vst v63  }
0x6c: {  	s9 =	rddreg [dreg:$0x7]  }
0x6d: {  	[tilespmem:s29], [sflag:$0x3] =	stream.linear.gather [hbm4b:s9+s2], $0x2000, $0x38;
	[tilespmem:$0xE080] =	vst v63  }
0x6e: {  	_ =	swait.ge [sflag:s7], $0x2000  }
0x6f: {  	[sflag:s7] =	ssyncset.done $0x0  }
0x70: {  	s9 =	rddreg [dreg:$0x4];
	[sflag:s7] =	ssyncadd.s32 $0xFFFFE000  }
0x71: {  	[hbm4b:s9+s30] =	stream.indirect.scatter [tilespmem:s29], [sflag:$0x2], $0x80, s2, s30, $0xb8;
	[tilespmem:$0xE080] =	vst v63  }
0x72: {  	p0 =	sne.s32 s6, $0x1;
	_ =	swait.ge [sflag:s31], $0xC000  }
.Ltmp0:
0x73: {  	[sflag:s31] =	ssyncset.done $0x0;
	(pc) =	sbr.rel @p0 .LBB2_1-.Ltmp0, $4  }
0x74: {  	[sflag:s31] =	ssyncadd.s32 $0xFFFF4000  }
0x75: {  	_ =	swait.ge [sflag:s1], $0x2000  }
0x76: {  	[sflag:s1] =	ssyncset.done $0x0  }
0x77: {  	s6 =	sadd.s32 $0xFFFFFFFF, s6;
	[sflag:s1] =	ssyncadd.s32 $0xFFFFE000  }
0x78: {  	_ =	sfence.sel $0x180000  }
0x79: {  	[bflag:$0x0] =	sbarrier.arrive $0xFFFF  }
0x7a: {  	_ =	strace $0x90000047  }
0x7b: {  	s0 =	stileid.u32;
	[bflag:$0x2] =	sbarrier.arrive $0xFFFF  }
0x7c: {  	p0 =	sne.s32 s0, $0x0;
	s0 =	rddreg [dreg:$0x3]  }
0x7d: {  	s0 =	sadd.s32 @!p0 $0x100000, s0  }
0x7e: {  	[sflag:s0] =	ssyncadd.tile.s32 @!p0 $0x1;
	_ =	shalt  }
.Lfunc_end2:
_tile_overlayer_lowered:
.L_overlay_start_2:
0x7f: {  	(tag) =	ssettag $0x2  }
0x80: {  	s0 =	rddreg [dreg:$0x0];
	s2 =	stileid.u32  }
0x81: {  	s1 =	rddreg [dreg:$0x1];
	p0 =	sne.s32 s2, $0x0  }
0x82: {  	s3 =	rddreg [dreg:$0x2];
	[bflag:$0x3] =	sbarrier.arrive $0xFFFF;
	s2 =	simm.s32 @!p0 $0x1C03  }
0x83: {  	[timem:s3], [sflag:s2] =	dma.local @!p0 [hbm:s0], s1  }
0x84: {  	s0 =	simm.s32 @!p0 $0x3  }
0x85: {  	_ =	swait.ge @!p0 [sflag:s0], s1  }
0x86: {  	s1 =	ssub.s32 @!p0 $0x0, s1;
	[sflag:s0] =	ssyncset.done @!p0 $0x0  }
0x87: {  	[sflag:s0] =	ssyncadd.s32 @!p0 s1  }
0x88: {  	[bflag:$0x3] =	sbarrier.arrive $0xFFFF  }
0x89: {  	_ =	shalt  }

// kernel: kernel.9.cloned.1.call-start
scs
__scs_entry_jumppad:
0x0: {  	(pc) =	sbr.rel $0x88, $3  }
0x1: {  	(tag) =	ssettag $0x0;
	lr =	simm.s32 $0x1  }
0x2: {  	[smem:$0x3F9D] =	sst lr;
	_ =	strace $0xD0000000  }
0x3: {  	_ = 	snop  }
0x4: {  	_ = 	snop  }
0x5: {  	_ = 	snop  }
0x6: {  	_ = 	snop  }
0x7: {  	_ = 	snop  }
__scs_overlays_trampoline_lowered:
0x8: {  	[smem:$0x3FAC] =	sst s0  }
0x9: {  	[smem:$0x3FAD] =	sst s1  }
0xa: {  	[smem:$0x3FAE] =	sst s2  }
0xb: {  	[smem:$0x3FAF] =	sst s3  }
0xc: {  	[smem:$0x3FB0] =	sst s4  }
0xd: {  	[smem:$0x3FB1] =	sst s5  }
0xe: {  	[smem:$0x3FB2] =	sst s6  }
0xf: {  	[smem:$0x3FB3] =	sst s7  }
0x10: {  	[smem:$0x3FB4] =	sst s8  }
0x11: {  	[smem:$0x3FB5] =	sst s9;
	s0 =	simm.s32 @!p0 $0x0  }
0x12: {  	s1 =	sld [smem:$0x3F9B];
	s0 =	simm.s32 @p0 $0x1  }
0x13: {  	[smem:$0x3FB6] =	sst s0;
	s0 =	simm.s32 @!p1 $0x0  }
0x14: {  	s2 =	sld [smem:$0x3F9A];
	s0 =	simm.s32 @p1 $0x1  }
0x15: {  	[smem:$0x3FB7] =	sst s0;
	s0 =	simm.s32 @!p2 $0x0  }
0x16: {  	s3 =	sld [smem:$0x3FDB];
	s0 =	simm.s32 @p2 $0x1  }
0x17: {  	s4 =	simm.s32 $0x1BF5;
	[smem:$0x3FB9] =	sst s0  }
0x18: {  	s0 =	sld [smem:$0x3F9C];
	_ =	swait.ge [sflag:s4], $0x0  }
0x19: {  	s7 =	sld [smem:$0x3F9D]  }
0x1a: {  	s8 =	sadd.s32 $0xFFFFE003, lr  }
0x1b: {  	s9 =	sadd.s32 $0xFFFFFEF7, lr;
	s5 =	simm.s32 $0xFFFFFFFF;
	p2 =	slt.u32 s8, $0xFFFFF086  }
0x1c: {  	p1 =	slt.u32 s9, $0xF7A;
	s5 =	simm.s32 @!p2 $0x0  }
0x1d: {  	s5 =	simm.s32 @p1 $0x1;
	p0 =	seq.s32 s7, s2  }
0x1e: {  	s7 =	smul.u32 @!p0 $0xF7A, s2;
	p2 =	seq.s32 @!p0 s5, $0x0  }
0x1f: {  	s9 =	smul.u32 $0xF7A, s1;
	s8 =	simm.s32 @!p0 $0x1BF5;
	p2 =	por !p2, p0  }
0x20: {  	[sflag:s8] =	ssyncset.s32 @!p0 $0xFFFFF086;
	s6 =	sadd.s32 @!p0 s3, s7;
	s7 =	simm.s32 @!p0 $0x108  }
0x21: {  	s3 =	sadd.s32 s3, s9;
	s6 =	sadd.s32 @!p0 $0x88, s6;
	s7 =	simm.s32 @p2 $0x1082  }
0x22: {  	[simem:s7], [sflag:s8] =	dma.local @!p0 [hbm:s6], $0xF7A  }
0x23: {  	s9 =	sor.u32 $0xD0000000, s2;
	s6 =	simm.s32 $0x108;
	_ =	swait.ge @!p0 [sflag:s8], $0x0  }
0x24: {  	s3 =	sadd.s32 $0x88, s3;
	s6 =	simm.s32 @!p1 $0x1082;
	[sflag:s4] =	ssyncset.s32 $0xFFFFF086  }
0x25: {  	[simem:s6], [sflag:s4] =	dma.local [hbm:s3], $0xF7A  }
0x26: {  	[smem:$0x3F9D] =	sst s1;
	(tag) =	ssettag s2;
	_ =	strace s9  }
0x27: {  	s1 =	sld [smem:$0x3FAD]  }
0x28: {  	s2 =	sld [smem:$0x3FAE]  }
0x29: {  	s4 =	sld [smem:$0x3FB0]  }
0x2a: {  	p0 =	seq.s32 s5, $0x0;
	s5 =	sld [smem:$0x3FB1]  }
0x2b: {  	s6 =	sld [smem:$0x3FB2]  }
0x2c: {  	s7 =	sld [smem:$0x3FB3]  }
0x2d: {  	s3 =	simm.s32 $0x108;
	s8 =	sld [smem:$0x3FB4]  }
0x2e: {  	s3 =	simm.s32 @!p0 $0x1082;
	s9 =	sld [smem:$0x3FB5]  }
0x2f: {  	lr =	sadd.s32 s0, s3;
	s0 =	sld [smem:$0x3FAC]  }
0x30: {  	s3 =	sld [smem:$0x3FAF]  }
0x31: {  	[smem:$0x3FB8] =	sst s10  }
0x32: {  	s10 =	sld [smem:$0x3FB6];
	_ =	sdelay $0x3  }
0x33: {  	p0 =	seq.s32 s10, $0x1;
	s10 =	sld [smem:$0x3FB8];
	_ =	sdelay $0x3  }
0x34: {  	[smem:$0x3FB8] =	sst s10  }
0x35: {  	s10 =	sld [smem:$0x3FB7];
	_ =	sdelay $0x3  }
0x36: {  	p1 =	seq.s32 s10, $0x1;
	s10 =	sld [smem:$0x3FB8];
	_ =	sdelay $0x3  }
0x37: {  	[smem:$0x3FB8] =	sst s10  }
0x38: {  	s10 =	sld [smem:$0x3FB9]  }
0x39: {  	_ = 	snop;
	(pc) =	sbr.ind lr, $3  }
0x3a: {  	_ = 	snop  }
0x3b: {  	_ = 	snop  }
0x3c: {  	p2 =	seq.s32 s10, $0x1;
	s10 =	sld [smem:$0x3FB8]  }
0x3d: {  	_ =	shalt  }
0x3e: {  	_ =	shalt  }
0x3f: {  	_ =	shalt  }
0x40: {  	_ =	shalt  }
0x41: {  	_ =	shalt  }
0x42: {  	_ =	shalt  }
0x43: {  	_ =	shalt  }
0x44: {  	_ =	shalt  }
0x45: {  	_ =	shalt  }
0x46: {  	_ =	shalt  }
0x47: {  	_ =	shalt  }
0x48: {  	_ =	shalt  }
0x49: {  	_ =	shalt  }
0x4a: {  	_ =	shalt  }
0x4b: {  	_ =	shalt  }
0x4c: {  	_ =	shalt  }
0x4d: {  	_ =	shalt  }
0x4e: {  	_ =	shalt  }
0x4f: {  	_ =	shalt  }
0x50: {  	_ =	shalt  }
0x51: {  	_ =	shalt  }
0x52: {  	_ =	shalt  }
0x53: {  	_ =	shalt  }
0x54: {  	_ =	shalt  }
0x55: {  	_ =	shalt  }
0x56: {  	_ =	shalt  }
0x57: {  	_ =	shalt  }
0x58: {  	_ =	shalt  }
0x59: {  	_ =	shalt  }
0x5a: {  	_ =	shalt  }
0x5b: {  	_ =	shalt  }
0x5c: {  	_ =	shalt  }
0x5d: {  	_ =	shalt  }
0x5e: {  	_ =	shalt  }
0x5f: {  	_ =	shalt  }
0x60: {  	_ =	shalt  }
0x61: {  	_ =	shalt  }
0x62: {  	_ =	shalt  }
0x63: {  	_ =	shalt  }
0x64: {  	_ =	shalt  }
0x65: {  	_ =	shalt  }
0x66: {  	_ =	shalt  }
0x67: {  	_ =	shalt  }
0x68: {  	_ =	shalt  }
0x69: {  	_ =	shalt  }
0x6a: {  	_ =	shalt  }
0x6b: {  	_ =	shalt  }
0x6c: {  	_ =	shalt  }
0x6d: {  	_ =	shalt  }
0x6e: {  	_ =	shalt  }
0x6f: {  	_ =	shalt  }
0x70: {  	_ =	shalt  }
0x71: {  	_ =	shalt  }
0x72: {  	_ =	shalt  }
0x73: {  	_ =	shalt  }
0x74: {  	_ =	shalt  }
0x75: {  	_ =	shalt  }
0x76: {  	_ =	shalt  }
0x77: {  	_ =	shalt  }
0x78: {  	_ =	shalt  }
0x79: {  	_ =	shalt  }
0x7a: {  	_ =	shalt  }
0x7b: {  	_ =	shalt  }
0x7c: {  	_ =	shalt  }
0x7d: {  	_ =	shalt  }
0x7e: {  	_ =	shalt  }
0x7f: {  	_ =	shalt  }
0x80: {  	_ =	shalt  }
0x81: {  	_ =	shalt  }
0x82: {  	_ =	shalt  }
0x83: {  	_ =	shalt  }
0x84: {  	_ =	shalt  }
0x85: {  	_ =	shalt  }
0x86: {  	_ =	shalt  }
0x87: {  	_ =	shalt  }
.Lfunc_end0:
.L_simem_size_0:
called_computation.1_lowered:
.L_overlay_start_0:
0x88: {  	s2 =	sld [smem:$0x3FD9]  }
0x89: {  	s3 =	sld [smem:$0x3FFE];
	_ =	sdelay $0x1  }
0x8a: {  	s1 =	srdreg.scid  }
0x8b: {  	s0 =	sand.u32 $0x1, s1  }
0x8c: {  	s17 =	sshll.u32 s0, $0xA;
	s2 =	sadd.s32 s3, s2  }
0x8d: {  	s2 =	sadd.s32 s2, s17  }
0x8e: {  	[smem:$0x3FC4] =	sst s2  }
0x8f: {  	_ = 	snop  }
0x90: {  	s2 =	sld [smem:$0x3FD0];
	(tm) =	ssettm $0x1  }
0x91: {  	s18 =	sld [smem:$0x3FFB];
	_ =	sdelay $0x3  }
0x92: {  	_ =	strace s18  }
0x93: {  	s3 =	sld [smem:$0x3FFC];
	_ =	sdelay $0x3  }
0x94: {  	_ =	strace s3  }
0x95: {  	s3 =	sld [smem:$0x3FFD];
	_ =	sdelay $0x3  }
0x96: {  	_ =	strace s3  }
0x97: {  	_ =	strace $0x8FFFFFFF  }
0x98: {  	s19 =	sld [smem:$0x3FDB];
	_ =	sdelay $0x1  }
0x99: {  	s4 =	simm.s32 $_scs_section_size  }
0x9a: {  	s5 =	simm.s32 $_size__tile_overlayer_lowered;
	s6 =	simm.s32 $_tile_overlayer_lowered  }
0x9b: {  	s22 =	simm.s32 $0x1BFF;
	s21 =	sshll.u32 s6, $0x1;
	s3 =	sadd.s32 s4, s19  }
0x9c: {  	s7 =	simm.s32 $0x0;
	s20 =	sshll.u32 s5, $0x1;
	s5 =	sadd.s32 s21, s3  }
0x9d: {  	[timem:s7], [sflag:s22] =	dma.local [hbm:s5], s20  }
0x9e: {  	_ =	swait.ge [sflag:s22], s20  }
0x9f: {  	s4 =	ssub.s32 $0x0, s20;
	[sflag:s22] =	ssyncset.done $0x0  }
0xa0: {  	[sflag:s22] =	ssyncadd.s32 s4;
	_ =	sdelay $0x1  }
0xa1: {  	s23 =	simm.s32 $0x1B8B  }
0xa2: {  	_ =	swait.ge [sflag:s23], $0x1  }
0xa3: {  	[sflag:s23] =	ssyncset.done $0x0  }
0xa4: {  	s25 =	simm.s32 $0x1B8E;
	s24 =	sld [smem:$0x3FFE];
	[sflag:s23] =	ssyncadd.s32 $0xFFFFFFFF  }
0xa5: {  	s26 =	simm.s32 $execute0_lowered;
	[smem:$0x3FD2] =	sst s25  }
0xa6: {  	s5 =	sshll.u32 s26, $0x1;
	_ =	strace $0x80000049;
	[dreg:$0x1] =	wrdreg $0xFFFFFFFF  }
0xa7: {  	s28 =	simm.s32 $_size_execute0_lowered;
	s3 =	sadd.s32 s3, s5;
	[dreg:$0x0] =	wrdreg $0x0  }
0xa8: {  	s5 =	sshll.u32 s28, $0x1;
	[dreg:$0x2] =	wrdreg s3  }
0xa9: {  	[dreg:$0x3] =	wrdreg s5  }
0xaa: {  	[dreg:$0x4] =	wrdreg $0xC0  }
0xab: {  	_ =	task [dreg:s7], $0x5FFFF  }
0xac: {  	[dreg:$0x1] =	wrdreg $0xFFFFFFFF  }
0xad: {  	[dreg:$0x0] =	wrdreg $0x60  }
0xae: {  	[dreg:$0x2] =	wrdreg s24  }
0xaf: {  	[dreg:$0x3] =	wrdreg s2  }
0xb0: {  	[dreg:$0x4] =	wrdreg $0x9  }
0xb1: {  	_ =	task.clear_ibuf [dreg:s7], $0x5FFFF;
	_ =	strace $0x90000049  }
0xb2: {  	s29 =	simm.s32 $0x9;
	_ =	strace $0x8000004B  }
0xb3: {  	_ =	swait.ge [sflag:s29], $0x1  }
0xb4: {  	[sflag:s29] =	ssyncadd.s32 $0xFFFFFFFF  }
0xb5: {  	_ =	strace $0x9000004B  }
0xb6: {  	_ =	sfence  }
0xb7: {  	s30 =	sld [smem:$0x0];
	_ =	sdelay $0x2  }
0xb8: {  	s31 =	sshll.u32 s1, $0xD;
	s1 =	sshrl.u32 s1, $0x2  }
0xb9: {  	s3 =	sand.u32 $0x4000, s31;
	s1 =	sadd.s32 s1, s30  }
0xba: {  	s0 =	sor.u32 s3, s0;
	s1 =	sshll.u32 s1, $0x11  }
0xbb: {  	s0 =	sor.u32 s1, s0  }
0xbc: {  	s0 =	sadd.s32 $0x8F2B, s0  }
0xbd: {  	[sflag:s0] =	ssyncadd.remote.s32 $0x1  }
0xbe: {  	_ =	sfence.sel $0xFFFF  }
0xbf: {  	[dreg:$0x0] =	wrdreg $0xFFFFFFFF;
	(pc) =	sbr.abs _section_cstart, $3  }
0xc0: {  	[dreg:$0x1] =	wrdreg $0xFFFFFFFF  }
0xc1: {  	_ =	task.clear_ibuf [dreg:s7], $0x2FFFF;
	_ =	strace $0x9FFFFFFF  }
0xc2: {  	(tm) =	ssettm $0x7FFFFFFF  }
0xc3: {  	_ =	shalt  }
tec
execute0_lowered:
.L_overlay_start_1:
0x0: {  	(tag) =	ssettag $0x1  }
0x1: {  	s0 =	rddreg [dreg:$0x0]  }
0x2: {  	s5 =	rddreg [dreg:$0x1];
	s3 =	srdreg.scid  }
0x3: {  	s2 =	simm.s32 $0x0;
	s1 =	stileid.u32;
	s26 =	simm.s32 $0x880  }
0x4: {  	s10 =	simm.s32 $0x1880;
	s11 =	simm.s32 $0x2080;
	s12 =	simm.s32 $0x2880  }
0x5: {  	s13 =	simm.s32 $0x3080;
	s14 =	simm.s32 $0x3880;
	s15 =	simm.s32 $0x4080  }
0x6: {  	s16 =	simm.s32 $0x4880;
	s17 =	simm.s32 $0x5080;
	s18 =	simm.s32 $0x5880  }
0x7: {  	s19 =	simm.s32 $0x6080;
	s20 =	simm.s32 $0x6880;
	s21 =	simm.s32 $0x7080  }
0x8: {  	s22 =	simm.s32 $0x7880;
	s28 =	simm.s32 $0xA080;
	s29 =	simm.s32 $0xA880  }
0x9: {  	s30 =	simm.s32 $0xB080;
	s31 =	simm.s32 $0xB880;
	s3 =	sand.u32 $0x1, s3  }
0xa: {  	[smem:$0x7FF] =	sst s2;
	s4 =	sshll.u32 s1, $0x4;
	s6 =	sshll.u32 s3, $0x3  }
0xb: {  	_ =	strace $0x8000004A;
	s23 =	ssub.s32 $0x2, s3;
	s3 =	sadd.s32 $0x9400, s0  }
0xc: {  	[dreg:$0x5] =	wrdreg s26;
	s26 =	simm.s32 $0x9880;
	s4 =	sor.u32 s6, s4  }
0xd: {  	s8 =	sshrl.u32 s23, $0x1;
	s7 =	sadd.s32 s4, s0;
	s9 =	smul.u32 $0x300, s4  }
0xe: {  	s6 =	ssub.s32 s23, s8;
	s4 =	sadd.s32 $0x9500, s0;
	s8 =	simm.s32 $0x80  }
0xf: {  	s23 =	simm.s32 $0x8080;
	s24 =	sadd.s32 $0x9200, s7;
	s6 =	smax.u32 s6, $0x1  }
0x10: {  	v2 =	vlaneseq.u32;
	s7 =	simm.s32 $0x2;
	[dreg:$0x3] =	wrdreg s24;
	s25 =	sadd.s32 s5, s9  }
0x11: {  	vm0 =	vmmov $0xffff;
	v1 =	vshrl.u32 v2, $0x3;
	s5 =	sadd.s32 $0x9600, s0;
	s9 =	simm.s32 $0x1080;
	s24 =	simm.s32 $0x8880  }
0x12: {  	v0 =	vand.u32 $0x7, v2;
	v2 =	vor.u32 $0x8, v2;
	v1 =	vmul.u32 $0x8, v1;
	s0 =	simm.s32 $0x1;
	[dreg:$0x4] =	wrdreg s25;
	s25 =	simm.s32 $0x9080  }
.LBB2_1:
0x13: {  	s1 =	rddreg [dreg:$0x3]  }
0x14: {  	[tilespmem:s2], [sflag:$0x2] =	stream.linear.gather [hbm4b:s1+s2], $0x40, $0x38;
	[tilespmem:$0xC080] =	vst v63  }
0x15: {  	_ =	swait.ge [sflag:s7], $0x40  }
0x16: {  	[sflag:s7] =	ssyncset.done $0x0  }
0x17: {  	[sflag:s7] =	ssyncadd.s32 $0xFFFFFFC0  }
0x18: {  	v3 =	vld [tilespmem:$0x0];
	_ =	sdelay $0x4  }
0x19: {  	v4 =	vshrl.u32 v3, $0x3  }
0x1a: {  	v4 =	vmul.u32 $0x30, v4  }
0x1b: {  	v3 =	vand.u32 $0x7, v3  }
0x1c: {  	v3 =	vor.u32 v3, v4  }
0x1d: {  	v4 =	vperm.xlane v3, v0;
	_ =	sdelay $0x1  }
0x1e: {  	v4 =	vadd.s32 v1, v4;
	_ =	sdelay $0x3  }
0x1f: {  	v3 =	vperm.xlane v3, v2  }
0x20: {  	[tilespmem:s8], [sflag:$0x1] =	stream.indirect_vreg.gather [hbm4b:s3+s2], $0x80, v4, vm0, $0xb8;
	[tilespmem:$0xC080] =	vst v63  }
0x21: {  	s1 =	rddreg [dreg:$0x5];
	v3 =	vadd.s32 v1, v3  }
0x22: {  	[tilespmem:s1], [sflag:$0x1] =	stream.indirect_vreg.gather [hbm4b:s4+s2], $0x80, v4, vm0, $0xb8;
	[tilespmem:$0xC080] =	vst v63  }
0x23: {  	_ = 	snop  }
0x24: {  	[tilespmem:s9], [sflag:$0x1] =	stream.indirect_vreg.gather [hbm4b:s5+s2], $0x80, v4, vm0, $0xb8;
	[tilespmem:$0xC080] =	vst v63  }
0x25: {  	_ = 	snop  }
0x26: {  	[tilespmem:s10], [sflag:$0x1] =	stream.indirect_vreg.gather [hbm4b:s3+s2], $0x80, v3, vm0, $0xb8;
	[tilespmem:$0xC080] =	vst v63  }
0x27: {  	_ = 	snop  }
0x28: {  	[tilespmem:s11], [sflag:$0x1] =	stream.indirect_vreg.gather [hbm4b:s4+s2], $0x80, v3, vm0, $0xb8;
	[tilespmem:$0xC080] =	vst v63  }
0x29: {  	_ = 	snop  }
0x2a: {  	[tilespmem:s12], [sflag:$0x1] =	stream.indirect_vreg.gather [hbm4b:s5+s2], $0x80, v3, vm0, $0xb8;
	[tilespmem:$0xC080] =	vst v63  }
0x2b: {  	v3 =	vld [tilespmem:$0x10];
	_ =	sdelay $0x4  }
0x2c: {  	v61 =	vshrl.u32 v3, $0x3  }
0x2d: {  	v4 =	vmul.u32 $0x30, v61  }
0x2e: {  	v3 =	vand.u32 $0x7, v3  }
0x2f: {  	v3 =	vor.u32 v3, v4  }
0x30: {  	v4 =	vperm.xlane v3, v0;
	_ =	sdelay $0x1  }
0x31: {  	v4 =	vadd.s32 v1, v4;
	_ =	sdelay $0x3  }
0x32: {  	v3 =	vperm.xlane v3, v2  }
0x33: {  	[tilespmem:s13], [sflag:$0x1] =	stream.indirect_vreg.gather [hbm4b:s3+s2], $0x80, v4, vm0, $0xb8;
	[tilespmem:$0xC080] =	vst v63  }
0x34: {  	v3 =	vadd.s32 v1, v3  }
0x35: {  	[tilespmem:s14], [sflag:$0x1] =	stream.indirect_vreg.gather [hbm4b:s4+s2], $0x80, v4, vm0, $0xb8;
	[tilespmem:$0xC080] =	vst v63  }
0x36: {  	_ = 	snop  }
0x37: {  	[tilespmem:s15], [sflag:$0x1] =	stream.indirect_vreg.gather [hbm4b:s5+s2], $0x80, v4, vm0, $0xb8;
	[tilespmem:$0xC080] =	vst v63  }
0x38: {  	_ = 	snop  }
0x39: {  	[tilespmem:s16], [sflag:$0x1] =	stream.indirect_vreg.gather [hbm4b:s3+s2], $0x80, v3, vm0, $0xb8;
	[tilespmem:$0xC080] =	vst v63  }
0x3a: {  	_ = 	snop  }
0x3b: {  	[tilespmem:s17], [sflag:$0x1] =	stream.indirect_vreg.gather [hbm4b:s4+s2], $0x80, v3, vm0, $0xb8;
	[tilespmem:$0xC080] =	vst v63  }
0x3c: {  	_ = 	snop  }
0x3d: {  	[tilespmem:s18], [sflag:$0x1] =	stream.indirect_vreg.gather [hbm4b:s5+s2], $0x80, v3, vm0, $0xb8;
	[tilespmem:$0xC080] =	vst v63  }
0x3e: {  	v3 =	vld [tilespmem:$0x20];
	_ =	sdelay $0x4  }
0x3f: {  	v62 =	vshrl.u32 v3, $0x3  }
0x40: {  	v4 =	vmul.u32 $0x30, v62  }
0x41: {  	v3 =	vand.u32 $0x7, v3  }
0x42: {  	v3 =	vor.u32 v3, v4  }
0x43: {  	v4 =	vperm.xlane v3, v0;
	_ =	sdelay $0x1  }
0x44: {  	v4 =	vadd.s32 v1, v4;
	_ =	sdelay $0x3  }
0x45: {  	v3 =	vperm.xlane v3, v2  }
0x46: {  	[tilespmem:s19], [sflag:$0x1] =	stream.indirect_vreg.gather [hbm4b:s3+s2], $0x80, v4, vm0, $0xb8;
	[tilespmem:$0xC080] =	vst v63  }
0x47: {  	v3 =	vadd.s32 v1, v3  }
0x48: {  	[tilespmem:s20], [sflag:$0x1] =	stream.indirect_vreg.gather [hbm4b:s4+s2], $0x80, v4, vm0, $0xb8;
	[tilespmem:$0xC080] =	vst v63  }
0x49: {  	_ = 	snop  }
0x4a: {  	[tilespmem:s21], [sflag:$0x1] =	stream.indirect_vreg.gather [hbm4b:s5+s2], $0x80, v4, vm0, $0xb8;
	[tilespmem:$0xC080] =	vst v63  }
0x4b: {  	_ = 	snop  }
0x4c: {  	[tilespmem:s22], [sflag:$0x1] =	stream.indirect_vreg.gather [hbm4b:s3+s2], $0x80, v3, vm0, $0xb8;
	[tilespmem:$0xC080] =	vst v63  }
0x4d: {  	_ = 	snop  }
0x4e: {  	[tilespmem:s23], [sflag:$0x1] =	stream.indirect_vreg.gather [hbm4b:s4+s2], $0x80, v3, vm0, $0xb8;
	[tilespmem:$0xC080] =	vst v63  }
0x4f: {  	_ = 	snop  }
0x50: {  	[tilespmem:s24], [sflag:$0x1] =	stream.indirect_vreg.gather [hbm4b:s5+s2], $0x80, v3, vm0, $0xb8;
	[tilespmem:$0xC080] =	vst v63  }
0x51: {  	v3 =	vld [tilespmem:$0x30];
	_ =	sdelay $0x4  }
0x52: {  	v63 =	vshrl.u32 v3, $0x3  }
0x53: {  	v4 =	vmul.u32 $0x30, v63  }
0x54: {  	v3 =	vand.u32 $0x7, v3  }
0x55: {  	v3 =	vor.u32 v3, v4  }
0x56: {  	v4 =	vperm.xlane v3, v0;
	_ =	sdelay $0x1  }
0x57: {  	v4 =	vadd.s32 v1, v4;
	_ =	sdelay $0x3  }
0x58: {  	v3 =	vperm.xlane v3, v2  }
0x59: {  	[tilespmem:s25], [sflag:$0x1] =	stream.indirect_vreg.gather [hbm4b:s3+s2], $0x80, v4, vm0, $0xb8;
	[tilespmem:$0xC080] =	vst v63  }
0x5a: {  	v3 =	vadd.s32 v1, v3  }
0x5b: {  	[tilespmem:s26], [sflag:$0x1] =	stream.indirect_vreg.gather [hbm4b:s4+s2], $0x80, v4, vm0, $0xb8;
	[tilespmem:$0xC080] =	vst v63  }
0x5c: {  	_ = 	snop  }
0x5d: {  	[tilespmem:s28], [sflag:$0x1] =	stream.indirect_vreg.gather [hbm4b:s5+s2], $0x80, v4, vm0, $0xb8;
	[tilespmem:$0xC080] =	vst v63  }
0x5e: {  	_ = 	snop  }
0x5f: {  	[tilespmem:s29], [sflag:$0x1] =	stream.indirect_vreg.gather [hbm4b:s3+s2], $0x80, v3, vm0, $0xb8;
	[tilespmem:$0xC080] =	vst v63  }
0x60: {  	_ = 	snop  }
0x61: {  	[tilespmem:s30], [sflag:$0x1] =	stream.indirect_vreg.gather [hbm4b:s4+s2], $0x80, v3, vm0, $0xb8;
	[tilespmem:$0xC080] =	vst v63  }
0x62: {  	_ = 	snop  }
0x63: {  	[tilespmem:s31], [sflag:$0x1] =	stream.indirect_vreg.gather [hbm4b:s5+s2], $0x80, v3, vm0, $0xb8;
	[tilespmem:$0xC080] =	vst v63  }
0x64: {  	_ =	swait.ge [sflag:s0], $0xC000  }
0x65: {  	p0 =	sne.s32 s6, $0x1;
	[sflag:s0] =	ssyncset.done $0x0  }
.Ltmp0:
0x66: {  	s1 =	rddreg [dreg:$0x4];
	[sflag:s0] =	ssyncadd.s32 $0xFFFF4000;
	(pc) =	sbr.rel @p0 .LBB2_1-.Ltmp0, $4  }
0x67: {  	[hbm4b:s1+s2] =	stream.linear.scatter [tilespmem:s8], [sflag:$0x2], $0xC000, $0x38;
	[tilespmem:$0xC080] =	vst v63  }
0x68: {  	_ =	swait.ge [sflag:s7], $0xC000  }
0x69: {  	[sflag:s7] =	ssyncset.done $0x0  }
0x6a: {  	s6 =	sadd.s32 $0xFFFFFFFF, s6;
	[sflag:s7] =	ssyncadd.s32 $0xFFFF4000  }
0x6b: {  	_ =	sfence.sel $0x180000  }
0x6c: {  	[bflag:$0x0] =	sbarrier.arrive $0xFFFF  }
0x6d: {  	_ =	strace $0x9000004A  }
0x6e: {  	s0 =	stileid.u32;
	[bflag:$0x2] =	sbarrier.arrive $0xFFFF  }
0x6f: {  	p0 =	sne.s32 s0, $0x0;
	s0 =	rddreg [dreg:$0x2]  }
0x70: {  	s0 =	sadd.s32 @!p0 $0x100000, s0  }
0x71: {  	[sflag:s0] =	ssyncadd.tile.s32 @!p0 $0x1;
	_ =	shalt  }
.Lfunc_end2:
_tile_overlayer_lowered:
.L_overlay_start_2:
0x72: {  	(tag) =	ssettag $0x2  }
0x73: {  	s0 =	rddreg [dreg:$0x0];
	s2 =	stileid.u32  }
0x74: {  	s1 =	rddreg [dreg:$0x1];
	p0 =	sne.s32 s2, $0x0  }
0x75: {  	s3 =	rddreg [dreg:$0x2];
	[bflag:$0x3] =	sbarrier.arrive $0xFFFF;
	s2 =	simm.s32 @!p0 $0x1C02  }
0x76: {  	[timem:s3], [sflag:s2] =	dma.local @!p0 [hbm:s0], s1  }
0x77: {  	s0 =	simm.s32 @!p0 $0x2  }
0x78: {  	_ =	swait.ge @!p0 [sflag:s0], s1  }
0x79: {  	s1 =	ssub.s32 @!p0 $0x0, s1;
	[sflag:s0] =	ssyncset.done @!p0 $0x0  }
0x7a: {  	[sflag:s0] =	ssyncadd.s32 @!p0 s1  }
0x7b: {  	[bflag:$0x3] =	sbarrier.arrive $0xFFFF  }
0x7c: {  	_ =	shalt  }

</sc_bundles>
